<compile_context>
chip_gen: v7x
topology: tpu7x:2x2x1
jax: 0.10.2.dev20260603
libtpu: 0.0.44.dev20260713+nightly
codegen_flags: <defaults>
</compile_context>

<pallas_src>
import functools

import jax
import jax.numpy as jnp
from jax import lax
from jax.experimental import pallas as pl
from jax.experimental.pallas import tpu as pltpu
from jax.experimental.pallas import tpu_sc as plsc

_NEG = -1e9
_IOU_THR = 0.5
_PROPOSALS = 1000
_TOPK = 6000
_LANES = 128
_B = 4
_ROWS = 157
_NPAD = _ROWS * _LANES
_CROWS = 48
_CSLOTS = _CROWS * _LANES
_OUTSLOTS = 8192


def _select_topk(sbits, iota, k):
    def cnt_gt(t):
        return jnp.sum((sbits > t).astype(jnp.int32), axis=(1, 2),
                       keepdims=True)

    lo0 = jnp.full((_B, 1, 1), -1, jnp.int32)
    hi0 = jnp.full((_B, 1, 1), 0x7F800000, jnp.int32)

    def vstep(_, c):
        lo, hi = c
        mid = lo + (hi - lo) // 2
        ge = cnt_gt(mid) >= k
        return jnp.where(ge, mid, lo), jnp.where(ge, hi, mid)

    lo, hi = lax.fori_loop(0, 31, vstep, (lo0, hi0))
    vstar = hi
    m = k - cnt_gt(vstar)
    tie = sbits == vstar

    def dcnt(j):
        return jnp.sum((tie & (iota <= j)).astype(jnp.int32), axis=(1, 2),
                       keepdims=True)

    jlo0 = jnp.full((_B, 1, 1), -1, jnp.int32)
    jhi0 = jnp.full((_B, 1, 1), _NPAD - 1, jnp.int32)

    def jstep(_, c):
        jlo, jhi = c
        jmid = jlo + (jhi - jlo) // 2
        ge = dcnt(jmid) >= m
        return jnp.where(ge, jlo, jmid), jnp.where(ge, jmid, jhi)

    jlo, jhi = lax.fori_loop(0, 15, jstep, (jlo0, jhi0))
    return (sbits > vstar) | (tie & (iota <= jhi))


def _prefix(vf):
    li = lax.broadcasted_iota(jnp.int32, (_LANES, _LANES), 0)
    lj = lax.broadcasted_iota(jnp.int32, (_LANES, _LANES), 1)
    sl128 = (li < lj).astype(jnp.float32)
    inrow = jnp.dot(vf.reshape(_B * _ROWS, _LANES), sl128,
                    preferred_element_type=jnp.float32)
    inrow = inrow.reshape(_B, _ROWS, _LANES)
    rowsum = jnp.sum(vf, axis=2)
    ri = lax.broadcasted_iota(jnp.int32, (_ROWS, _ROWS), 0)
    rj = lax.broadcasted_iota(jnp.int32, (_ROWS, _ROWS), 1)
    sl_rows = (ri < rj).astype(jnp.float32)
    rowbase = jnp.dot(rowsum, sl_rows, preferred_element_type=jnp.float32)
    return rowbase[:, :, None] + inrow


def _stage_a_body(s_ref, ay1_ref, ax1_ref, ay2_ref, ax2_ref,
                  d0_ref, d1_ref, d2_ref, d3_ref,
                  y1_o, x1_o, y2_o, x2_o, dest_o):
    sc = s_ref[...]
    ay1 = ay1_ref[...]
    ax1 = ax1_ref[...]
    ay2 = ay2_ref[...]
    ax2 = ax2_ref[...]
    dd0 = d0_ref[...] * 0.1
    dd1 = d1_ref[...] * 0.1
    dd2 = d2_ref[...] * 0.2
    dd3 = d3_ref[...] * 0.2
    h = ay2 - ay1
    w = ax2 - ax1
    cy = ay1 + 0.5 * h
    cx = ax1 + 0.5 * w
    cy = cy + dd0 * h
    cx = cx + dd1 * w
    hh = h * jnp.exp(dd2)
    ww = w * jnp.exp(dd3)
    by1 = cy - 0.5 * hh
    bx1 = cx - 0.5 * ww
    by2 = by1 + hh
    bx2 = bx1 + ww
    y1_o[...] = by1
    x1_o[...] = bx1
    y2_o[...] = by2
    x2_o[...] = bx2

    sbits = lax.bitcast_convert_type(sc, jnp.int32)
    iota = (lax.broadcasted_iota(jnp.int32, (1, _ROWS, _LANES), 1) * _LANES
            + lax.broadcasted_iota(jnp.int32, (1, _ROWS, _LANES), 2))

    valid6 = _select_topk(sbits, iota, _TOPK)

    p6 = _prefix(valid6.astype(jnp.float32)).astype(jnp.int32)
    trash = _CSLOTS + (iota & 2047)
    dest_o[...] = jnp.where(valid6, p6, trash)


def _make_sc_scatter():
    info = plsc.get_sparse_core_info()
    nc = info.num_cores

    mesh = plsc.VectorSubcoreMesh(core_axis_name="c", subcore_axis_name="s")

    @functools.partial(
        pl.kernel, mesh=mesh,
        out_type=jax.ShapeDtypeStruct((_B, 5, _OUTSLOTS), jnp.float32),
        compiler_params=pltpu.CompilerParams(needs_layout_passes=False),
        scratch_types=[
            pltpu.VMEM((_NPAD,), jnp.int32),
            pltpu.VMEM((_NPAD,), jnp.float32),
            pltpu.VMEM((_OUTSLOTS,), jnp.float32),
        ],
    )
    def sc_scatter(vals_hbm, dest_hbm, out_hbm, idx_v, val_v, outbuf):
        wid = lax.axis_index("s") * nc + lax.axis_index("c")
        b = wid // 5
        col = wid % 5

        @pl.when(b < _B)
        def _():
            pltpu.sync_copy(dest_hbm.at[b], idx_v)
            pltpu.sync_copy(vals_hbm.at[b, col], val_v)

            def body(i, carry):
                i16 = idx_v[pl.ds(i * 16, 16)]
                v16 = val_v[pl.ds(i * 16, 16)]
                plsc.store_scatter(outbuf, [i16], v16)
                return carry

            lax.fori_loop(0, _NPAD // 16, body, 0)
            pltpu.sync_copy(outbuf, out_hbm.at[b, col])

    return sc_scatter


def _stage_b_body(s_in_ref, y1_ref, x1_ref, y2_ref, x2_ref, out_ref):
    slot = (lax.broadcasted_iota(jnp.int32, (1, _CROWS, _LANES), 1) * _LANES
            + lax.broadcasted_iota(jnp.int32, (1, _CROWS, _LANES), 2))
    lane4 = lax.broadcasted_iota(jnp.int32, (1, 1, 4), 2)

    def emit(i, found, py1, px1, py2, px2):
        row = (jnp.where(lane4 == 0, py1, 0.0)
               + jnp.where(lane4 == 1, px1, 0.0)
               + jnp.where(lane4 == 2, py2, 0.0)
               + jnp.where(lane4 == 3, px2, 0.0))
        out_ref[:, pl.ds(i, 1), :] = jnp.where(found, row, 0.0)

    def step(i, s):
        by1 = y1_ref[...]
        bx1 = x1_ref[...]
        by2 = y2_ref[...]
        bx2 = x2_ref[...]
        a2 = (by2 - by1) * (bx2 - bx1)
        m = jnp.max(s, axis=(1, 2), keepdims=True)
        found = m > _NEG * 0.5
        sel = s == m
        idx = jnp.min(jnp.where(sel, slot, jnp.int32(2**31 - 1)),
                      axis=(1, 2), keepdims=True)
        sel2 = slot == idx

        cat = jnp.stack([by1, bx1, by2, bx2], axis=1)
        pk = jnp.sum(jnp.where(sel2[:, None], cat, 0.0), axis=(2, 3),
                     keepdims=True)
        py1 = pk[:, 0]
        px1 = pk[:, 1]
        py2 = pk[:, 2]
        px2 = pk[:, 3]
        yy1 = jnp.maximum(py1, by1)
        xx1 = jnp.maximum(px1, bx1)
        yy2 = jnp.minimum(py2, by2)
        xx2 = jnp.minimum(px2, bx2)
        inter = jnp.maximum(yy2 - yy1, 0.0) * jnp.maximum(xx2 - xx1, 0.0)
        a1 = (py2 - py1) * (px2 - px1)
        iou = inter / (a1 + a2 - inter + 1e-8)
        supp = ((iou > _IOU_THR) & found) | sel2
        emit(i, found, py1, px1, py2, px2)
        return jnp.where(supp, _NEG, s)

    s0 = jnp.where(slot < _TOPK, s_in_ref[...], _NEG)
    lax.fori_loop(0, _PROPOSALS, step, s0)


def kernel(rpn_probs, rpn_bbox, anchors):
    B, N, _ = rpn_probs.shape

    def prep(x, fill):
        x = jnp.pad(x, ((0, 0), (0, _NPAD - N)), constant_values=fill)
        return x.reshape(B, _ROWS, _LANES)

    score = prep(rpn_probs[..., 1], -1.0)
    ins = [score]
    for k in range(4):
        ins.append(prep(anchors[..., k], 0.0))
    for k in range(4):
        ins.append(prep(rpn_bbox[..., k], 0.0))

    shp = jax.ShapeDtypeStruct((B, _ROWS, _LANES), jnp.float32)
    y1, x1, y2, x2, dest = pl.pallas_call(
        _stage_a_body,
        out_shape=(shp, shp, shp, shp,
                   jax.ShapeDtypeStruct((B, _ROWS, _LANES), jnp.int32)),
    )(*ins)

    vals = jnp.stack(
        [a.reshape(B, _NPAD) for a in (score, y1, x1, y2, x2)], axis=1)
    compact = _make_sc_scatter()(vals, dest.reshape(B, _NPAD))
    cc = compact[:, :, :_CSLOTS].reshape(B, 5, _CROWS, _LANES)

    out = pl.pallas_call(
        _stage_b_body,
        out_shape=jax.ShapeDtypeStruct((B, _PROPOSALS, 4), jnp.float32),
    )(cc[:, 0], cc[:, 1], cc[:, 2], cc[:, 3], cc[:, 4])
    return out

# --- scband reference (transcript-rebuilt; emitter-appended) ---
"""Pipeline reference for scband-proposal-layer-4372276707983 (READ-ONLY COPY).

The authoritative reference and input builder live on the scoring server;
editing this copy changes nothing except your own understanding.
"""

import jax, jax.numpy as jnp
import numpy as np

PROPOSAL_COUNT = 1000
NMS_LIMIT = 6000
IOU_THR = 0.5
NEG = -1e9
RPN_BBOX_STD_DEV = jnp.array([0.1, 0.1, 0.2, 0.2], dtype=jnp.float32)


def delta2box(delta, anchors):
    # anchors: [N, (y1, x1, y2, x2)]; delta: [N, (dy, dx, log(dh), log(dw))]
    h = anchors[:, 2] - anchors[:, 0]
    w = anchors[:, 3] - anchors[:, 1]
    cy = anchors[:, 0] + 0.5 * h
    cx = anchors[:, 1] + 0.5 * w
    cy = cy + delta[:, 0] * h
    cx = cx + delta[:, 1] * w
    h = h * jnp.exp(delta[:, 2])
    w = w * jnp.exp(delta[:, 3])
    y1 = cy - 0.5 * h
    x1 = cx - 0.5 * w
    y2 = y1 + h
    x2 = x1 + w
    return jnp.stack([y1, x1, y2, x2], axis=1)


def iou_one_to_many(box, boxes):
    yy1 = jnp.maximum(box[0], boxes[:, 0])
    xx1 = jnp.maximum(box[1], boxes[:, 1])
    yy2 = jnp.minimum(box[2], boxes[:, 2])
    xx2 = jnp.minimum(box[3], boxes[:, 3])
    inter = jnp.maximum(yy2 - yy1, 0.0) * jnp.maximum(xx2 - xx1, 0.0)
    a1 = (box[2] - box[0]) * (box[3] - box[1])
    a2 = (boxes[:, 2] - boxes[:, 0]) * (boxes[:, 3] - boxes[:, 1])
    return inter / (a1 + a2 - inter + 1e-8)


def nms_fixed(boxes, scores, max_out, iou_thr):
    # Greedy hard NMS, fixed max_out outputs, zero-padded (matches tf NMS + tf.pad).
    def step(scores_w, _):
        idx = jnp.argmax(scores_w)
        valid = scores_w[idx] > NEG * 0.5
        box = boxes[idx]
        out_box = jnp.where(valid, box, jnp.zeros_like(box))
        ious = iou_one_to_many(box, boxes)
        suppress = (ious > iou_thr) & valid
        new_scores = jnp.where(suppress, NEG, scores_w)
        new_scores = new_scores.at[idx].set(NEG)
        return new_scores, out_box
    _, out = jax.lax.scan(step, scores, None, length=max_out)
    return out  # [max_out, 4]


def setup_inputs(seed: int = 0) -> dict:
    key = jax.random.key(seed)
    k1, k2, k3, k4 = jax.random.split(key, 4)
    B, N = 4, 20000
    rpn_probs = jax.random.uniform(k1, (B, N, 2), dtype=jnp.float32)
    rpn_bbox = jax.random.normal(k2, (B, N, 4), dtype=jnp.float32)
    y1x1 = jax.random.uniform(k3, (B, N, 2), dtype=jnp.float32, minval=0.0, maxval=0.9)
    hw = jax.random.uniform(k4, (B, N, 2), dtype=jnp.float32, minval=0.02, maxval=0.12)
    anchors = jnp.concatenate([y1x1, y1x1 + hw], axis=-1)
    return {"rpn_probs": rpn_probs, "rpn_bbox": rpn_bbox, "anchors": anchors}


def reference(rpn_probs, rpn_bbox, anchors):
    positive_score = rpn_probs[..., 1]
    delta = rpn_bbox * RPN_BBOX_STD_DEV.reshape(1, 1, 4)

    def per_sample(score, d, anc):
        boxes = delta2box(d, anc)
        nms_limit = min(NMS_LIMIT, score.shape[0])
        vals, idx = jax.lax.top_k(score, nms_limit)
        boxes_sorted = jnp.take(boxes, idx, axis=0)
        return nms_fixed(boxes_sorted, vals, PROPOSAL_COUNT, IOU_THR)

    return jax.vmap(per_sample)(positive_score, delta, anchors)  # [B, proposal_count, 4]

if __name__ == "__main__":
    import jax
    _d = setup_inputs()
    print(jax.jit(kernel)(*tuple(_d.values())))

</pallas_src>

<mosaic_0001>
#map = affine_map<(d0, d1) -> (0, 0, 0)>
#map1 = affine_map<(d0, d1) -> (0, 0)>
module attributes {stable_mosaic.version = 14 : i64} {
  func.func @sc_scatter(%arg0: i32, %arg1: i32, %arg2: memref<4x5x20096xf32, #tpu.memory_space<hbm>>, %arg3: memref<4x20096xi32, #tpu.memory_space<hbm>>, %arg4: memref<4x5x8192xf32, #tpu.memory_space<hbm>>, %arg5: memref<20096xi32, #tpu.memory_space<vmem>>, %arg6: memref<20096xf32, #tpu.memory_space<vmem>>, %arg7: memref<8192xf32, #tpu.memory_space<vmem>>) attributes {dimension_semantics = [#tpu.dimension_semantics<core_parallel>, #tpu.dimension_semantics<subcore_parallel>], iteration_bounds = array<i64: 2, 16>, scalar_prefetch = 0 : i64, scratch_operands = 3 : i64, tpu.core_type = #tpu.core_type<sc_vector_subcore>, window_params = [{transform_indices = #map}, {transform_indices = #map1}, {transform_indices = #map}]} {
    %mul3A = arith.constant 2 : i32
    %mul3A_0 = arith.muli %arg1, %mul3A : i32
    %add3A = arith.addi %mul3A_0, %arg0 : i32
    %jit3A = arith.constant 5 : i32
    %div3A = arith.divsi %add3A, %jit3A : i32
    %sign3A = arith.constant 0 : i32
    %sign3A_1 = arith.cmpi sgt, %add3A, %sign3A : i32
    %sign3A_2 = arith.extui %sign3A_1 : i1 to i32
    %sign3A_3 = arith.constant 0 : i32
    %sign3A_4 = arith.cmpi slt, %add3A, %sign3A_3 : i32
    %sign3A_5 = arith.extui %sign3A_4 : i1 to i32
    %sign3A_6 = arith.subi %sign3A_2, %sign3A_5 : i32
    %sign3A_7 = arith.constant 0 : i32
    %sign3A_8 = arith.cmpi sgt, %jit3A, %sign3A_7 : i32
    %sign3A_9 = arith.extui %sign3A_8 : i1 to i32
    %sign3A_10 = arith.constant 0 : i32
    %sign3A_11 = arith.cmpi slt, %jit3A, %sign3A_10 : i32
    %sign3A_12 = arith.extui %sign3A_11 : i1 to i32
    %sign3A_13 = arith.subi %sign3A_9, %sign3A_12 : i32
    %ne3A = arith.cmpi ne, %sign3A_6, %sign3A_13 : i32
    %rem3A = arith.remsi %add3A, %jit3A : i32
    %ne3A_14 = arith.constant 0 : i32
    %ne3A_15 = arith.cmpi ne, %rem3A, %ne3A_14 : i32
    %and3A = arith.andi %ne3A, %ne3A_15 : i1
    %sub3A = arith.constant 1 : i32
    %sub3A_16 = arith.subi %div3A, %sub3A : i32
    %select_n3A = arith.select %and3A, %sub3A_16, %div3A : i32
    %jit3A_17 = arith.constant 5 : i32
    %eq3A = arith.constant 0 : i32
    %eq3A_18 = arith.cmpi eq, %jit3A_17, %eq3A : i32
    %jit3A_19 = arith.constant 1 : i32
    %select_n3A_20 = arith.select %eq3A_18, %jit3A_19, %jit3A_17 : i32
    %rem3A_21 = arith.remsi %add3A, %select_n3A_20 : i32
    %ne3A_22 = arith.constant 0 : i32
    %ne3A_23 = arith.cmpi ne, %rem3A_21, %ne3A_22 : i32
    %lt3A = arith.constant 0 : i32
    %lt3A_24 = arith.cmpi slt, %rem3A_21, %lt3A : i32
    %lt3A_25 = arith.constant 0 : i32
    %lt3A_26 = arith.cmpi slt, %select_n3A_20, %lt3A_25 : i32
    %ne3A_27 = arith.xori %lt3A_24, %lt3A_26 : i1
    %and3A_28 = arith.andi %ne3A_27, %ne3A_23 : i1
    %add3A_29 = arith.addi %rem3A_21, %select_n3A_20 : i32
    %select_n3A_30 = arith.select %and3A_28, %add3A_29, %rem3A_21 : i32
    %lt3A_31 = arith.constant 4 : i32
    %lt3A_32 = arith.cmpi slt, %select_n3A, %lt3A_31 : i32
    %convert_element_type3A = arith.extui %lt3A_32 : i1 to i32
    %cond3A = arith.constant 0 : i32
    %cond3A_33 = arith.cmpi ne, %convert_element_type3A, %cond3A : i32
    scf.if %cond3A_33 {
      "tpu.region"() ({
        %run_scoped3A = tpu.sem_alloc : memref<!tpu.dma_semaphore, #tpu.memory_space<semaphore_mem>>
        %dma_start3A = arith.constant 0 : i32
        %dma_start3A_39 = tpu.memref_slice %arg3[%select_n3A, %dma_start3A] : memref<4x20096xi32, #tpu.memory_space<hbm>> -> memref<1x20096xi32, #tpu.memory_space<hbm>>
        %dma_start3A_40 = tpu.memref_squeeze %dma_start3A_39 : memref<1x20096xi32, #tpu.memory_space<hbm>> -> memref<20096xi32, #tpu.memory_space<hbm>>
        %dma_start3A_41 = arith.constant 0 : i32
        %dma_start3A_42 = tpu.memref_slice %arg3[%select_n3A, %dma_start3A_41] : memref<4x20096xi32, #tpu.memory_space<hbm>> -> memref<1x20096xi32, #tpu.memory_space<hbm>>
        %dma_start3A_43 = tpu.memref_squeeze %dma_start3A_42 : memref<1x20096xi32, #tpu.memory_space<hbm>> -> memref<20096xi32, #tpu.memory_space<hbm>>
        tpu.enqueue_dma source(%dma_start3A_43 : memref<20096xi32, #tpu.memory_space<hbm>>) target(%arg5 : memref<20096xi32, #tpu.memory_space<vmem>>) target_semaphore(%run_scoped3A : memref<!tpu.dma_semaphore, #tpu.memory_space<semaphore_mem>>)
        %dma_wait3A = arith.constant 0 : i32
        %dma_wait3A_44 = tpu.memref_slice %arg3[%select_n3A, %dma_wait3A] : memref<4x20096xi32, #tpu.memory_space<hbm>> -> memref<1x20096xi32, #tpu.memory_space<hbm>>
        %dma_wait3A_45 = tpu.memref_squeeze %dma_wait3A_44 : memref<1x20096xi32, #tpu.memory_space<hbm>> -> memref<20096xi32, #tpu.memory_space<hbm>>
        %dma_wait3A_46 = arith.constant 0 : i32
        %dma_wait3A_47 = tpu.memref_slice %arg3[%select_n3A, %dma_wait3A_46] : memref<4x20096xi32, #tpu.memory_space<hbm>> -> memref<1x20096xi32, #tpu.memory_space<hbm>>
        %dma_wait3A_48 = tpu.memref_squeeze %dma_wait3A_47 : memref<1x20096xi32, #tpu.memory_space<hbm>> -> memref<20096xi32, #tpu.memory_space<hbm>>
        tpu.wait_dma2 semaphore(%run_scoped3A : memref<!tpu.dma_semaphore, #tpu.memory_space<semaphore_mem>>) src(%dma_wait3A_48 : memref<20096xi32, #tpu.memory_space<hbm>>) dst(%arg5 : memref<20096xi32, #tpu.memory_space<vmem>>)
        tpu.yield
      }) : () -> ()
      "tpu.region"() ({
        %run_scoped3A = tpu.sem_alloc : memref<!tpu.dma_semaphore, #tpu.memory_space<semaphore_mem>>
        %dma_start3A = arith.constant 0 : i32
        %dma_start3A_39 = tpu.memref_slice %arg2[%select_n3A, %select_n3A_30, %dma_start3A] : memref<4x5x20096xf32, #tpu.memory_space<hbm>> -> memref<1x1x20096xf32, #tpu.memory_space<hbm>>
        %dma_start3A_40 = tpu.memref_squeeze %dma_start3A_39 : memref<1x1x20096xf32, #tpu.memory_space<hbm>> -> memref<20096xf32, #tpu.memory_space<hbm>>
        %dma_start3A_41 = arith.constant 0 : i32
        %dma_start3A_42 = tpu.memref_slice %arg2[%select_n3A, %select_n3A_30, %dma_start3A_41] : memref<4x5x20096xf32, #tpu.memory_space<hbm>> -> memref<1x1x20096xf32, #tpu.memory_space<hbm>>
        %dma_start3A_43 = tpu.memref_squeeze %dma_start3A_42 : memref<1x1x20096xf32, #tpu.memory_space<hbm>> -> memref<20096xf32, #tpu.memory_space<hbm>>
        tpu.enqueue_dma source(%dma_start3A_43 : memref<20096xf32, #tpu.memory_space<hbm>>) target(%arg6 : memref<20096xf32, #tpu.memory_space<vmem>>) target_semaphore(%run_scoped3A : memref<!tpu.dma_semaphore, #tpu.memory_space<semaphore_mem>>)
        %dma_wait3A = arith.constant 0 : i32
        %dma_wait3A_44 = tpu.memref_slice %arg2[%select_n3A, %select_n3A_30, %dma_wait3A] : memref<4x5x20096xf32, #tpu.memory_space<hbm>> -> memref<1x1x20096xf32, #tpu.memory_space<hbm>>
        %dma_wait3A_45 = tpu.memref_squeeze %dma_wait3A_44 : memref<1x1x20096xf32, #tpu.memory_space<hbm>> -> memref<20096xf32, #tpu.memory_space<hbm>>
        %dma_wait3A_46 = arith.constant 0 : i32
        %dma_wait3A_47 = tpu.memref_slice %arg2[%select_n3A, %select_n3A_30, %dma_wait3A_46] : memref<4x5x20096xf32, #tpu.memory_space<hbm>> -> memref<1x1x20096xf32, #tpu.memory_space<hbm>>
        %dma_wait3A_48 = tpu.memref_squeeze %dma_wait3A_47 : memref<1x1x20096xf32, #tpu.memory_space<hbm>> -> memref<20096xf32, #tpu.memory_space<hbm>>
        tpu.wait_dma2 semaphore(%run_scoped3A : memref<!tpu.dma_semaphore, #tpu.memory_space<semaphore_mem>>) src(%dma_wait3A_48 : memref<20096xf32, #tpu.memory_space<hbm>>) dst(%arg6 : memref<20096xf32, #tpu.memory_space<vmem>>)
        tpu.yield
      }) : () -> ()
      %scan3A = arith.constant 0 : i32
      %scan3A_34 = arith.constant 0 : i32
      %scan3A_35 = arith.constant 1256 : i32
      %scan3A_36 = arith.addi %scan3A_34, %scan3A_35 : i32
      %scan3A_37 = arith.constant 1 : i32
      scf.for %scan3A_39 = %scan3A_34 to %scan3A_36 step %scan3A_37  : i32 {
        %mul3A_40 = arith.constant 16 : i32
        %mul3A_41 = arith.muli %scan3A_39, %mul3A_40 : i32
        %get3A = arith.index_cast %mul3A_41 : i32 to index
        %get3A_42 = tpu.vector_load %arg5[%get3A] {strides = array<i32>} : memref<20096xi32, #tpu.memory_space<vmem>>, vector<16xi32>,
        %mul3A_43 = arith.constant 16 : i32
        %mul3A_44 = arith.muli %scan3A_39, %mul3A_43 : i32
        %get3A_45 = arith.index_cast %mul3A_44 : i32 to index
        %get3A_46 = tpu.vector_load %arg6[%get3A_45] {strides = array<i32>} : memref<20096xf32, #tpu.memory_space<vmem>>, vector<16xf32>,
        tpu.vector_store_idx %arg7[%get3A_42], %get3A_46 : memref<8192xf32, #tpu.memory_space<vmem>>[vector<16xi32>], vector<16xf32>,
      }
      %scan3A_38 = arith.constant 1256 : i32
      "tpu.region"() ({
        %run_scoped3A = tpu.sem_alloc : memref<!tpu.dma_semaphore, #tpu.memory_space<semaphore_mem>>
        %dma_start3A = arith.constant 0 : i32
        %dma_start3A_39 = tpu.memref_slice %arg4[%select_n3A, %select_n3A_30, %dma_start3A] : memref<4x5x8192xf32, #tpu.memory_space<hbm>> -> memref<1x1x8192xf32, #tpu.memory_space<hbm>>
        %dma_start3A_40 = tpu.memref_squeeze %dma_start3A_39 : memref<1x1x8192xf32, #tpu.memory_space<hbm>> -> memref<8192xf32, #tpu.memory_space<hbm>>
        %dma_start3A_41 = arith.constant 0 : i32
        %dma_start3A_42 = tpu.memref_slice %arg4[%select_n3A, %select_n3A_30, %dma_start3A_41] : memref<4x5x8192xf32, #tpu.memory_space<hbm>> -> memref<1x1x8192xf32, #tpu.memory_space<hbm>>
        %dma_start3A_43 = tpu.memref_squeeze %dma_start3A_42 : memref<1x1x8192xf32, #tpu.memory_space<hbm>> -> memref<8192xf32, #tpu.memory_space<hbm>>
        tpu.enqueue_dma source(%arg7 : memref<8192xf32, #tpu.memory_space<vmem>>) target(%dma_start3A_43 : memref<8192xf32, #tpu.memory_space<hbm>>) target_semaphore(%run_scoped3A : memref<!tpu.dma_semaphore, #tpu.memory_space<semaphore_mem>>)
        %dma_wait3A = arith.constant 0 : i32
        %dma_wait3A_44 = tpu.memref_slice %arg4[%select_n3A, %select_n3A_30, %dma_wait3A] : memref<4x5x8192xf32, #tpu.memory_space<hbm>> -> memref<1x1x8192xf32, #tpu.memory_space<hbm>>
        %dma_wait3A_45 = tpu.memref_squeeze %dma_wait3A_44 : memref<1x1x8192xf32, #tpu.memory_space<hbm>> -> memref<8192xf32, #tpu.memory_space<hbm>>
        %dma_wait3A_46 = arith.constant 0 : i32
        %dma_wait3A_47 = tpu.memref_slice %arg4[%select_n3A, %select_n3A_30, %dma_wait3A_46] : memref<4x5x8192xf32, #tpu.memory_space<hbm>> -> memref<1x1x8192xf32, #tpu.memory_space<hbm>>
        %dma_wait3A_48 = tpu.memref_squeeze %dma_wait3A_47 : memref<1x1x8192xf32, #tpu.memory_space<hbm>> -> memref<8192xf32, #tpu.memory_space<hbm>>
        tpu.wait_dma2 semaphore(%run_scoped3A : memref<!tpu.dma_semaphore, #tpu.memory_space<semaphore_mem>>) src(%arg7 : memref<8192xf32, #tpu.memory_space<vmem>>) dst(%dma_wait3A_48 : memref<8192xf32, #tpu.memory_space<hbm>>)
        tpu.yield
      }) : () -> ()
    } else {
    }
    return
  }
}

module attributes {stable_mosaic.version = 14 : i64} {
  func.func @_stage_a_body(%arg0: memref<4x157x128xf32, #tpu.memory_space<vmem>>, %arg1: memref<4x157x128xf32, #tpu.memory_space<vmem>>, %arg2: memref<4x157x128xf32, #tpu.memory_space<vmem>>, %arg3: memref<4x157x128xf32, #tpu.memory_space<vmem>>, %arg4: memref<4x157x128xf32, #tpu.memory_space<vmem>>, %arg5: memref<4x157x128xf32, #tpu.memory_space<vmem>>, %arg6: memref<4x157x128xf32, #tpu.memory_space<vmem>>, %arg7: memref<4x157x128xf32, #tpu.memory_space<vmem>>, %arg8: memref<4x157x128xf32, #tpu.memory_space<vmem>>, %arg9: memref<4x157x128xf32, #tpu.memory_space<vmem>>, %arg10: memref<4x157x128xf32, #tpu.memory_space<vmem>>, %arg11: memref<4x157x128xf32, #tpu.memory_space<vmem>>, %arg12: memref<4x157x128xf32, #tpu.memory_space<vmem>>, %arg13: memref<4x157x128xi32, #tpu.memory_space<vmem>>) attributes {dimension_semantics = [], scalar_prefetch = 0 : i64, scratch_operands = 0 : i64, tpu.core_type = #tpu.core_type<tc>} {
    %get3A = arith.constant 0 : index
    %get3A_0 = arith.constant 0 : index
    %get3A_1 = arith.constant 0 : index
    %get3A_2 = vector.load %arg0[%get3A, %get3A_0, %get3A_1] : memref<4x157x128xf32, #tpu.memory_space<vmem>>, vector<4x157x128xf32>
    %get3A_3 = arith.constant 0 : index
    %get3A_4 = arith.constant 0 : index
    %get3A_5 = arith.constant 0 : index
    %get3A_6 = vector.load %arg1[%get3A_3, %get3A_4, %get3A_5] : memref<4x157x128xf32, #tpu.memory_space<vmem>>, vector<4x157x128xf32>
    %get3A_7 = arith.constant 0 : index
    %get3A_8 = arith.constant 0 : index
    %get3A_9 = arith.constant 0 : index
    %get3A_10 = vector.load %arg2[%get3A_7, %get3A_8, %get3A_9] : memref<4x157x128xf32, #tpu.memory_space<vmem>>, vector<4x157x128xf32>
    %get3A_11 = arith.constant 0 : index
    %get3A_12 = arith.constant 0 : index
    %get3A_13 = arith.constant 0 : index
    %get3A_14 = vector.load %arg3[%get3A_11, %get3A_12, %get3A_13] : memref<4x157x128xf32, #tpu.memory_space<vmem>>, vector<4x157x128xf32>
    %get3A_15 = arith.constant 0 : index
    %get3A_16 = arith.constant 0 : index
    %get3A_17 = arith.constant 0 : index
    %get3A_18 = vector.load %arg4[%get3A_15, %get3A_16, %get3A_17] : memref<4x157x128xf32, #tpu.memory_space<vmem>>, vector<4x157x128xf32>
    %get3A_19 = arith.constant 0 : index
    %get3A_20 = arith.constant 0 : index
    %get3A_21 = arith.constant 0 : index
    %get3A_22 = vector.load %arg5[%get3A_19, %get3A_20, %get3A_21] : memref<4x157x128xf32, #tpu.memory_space<vmem>>, vector<4x157x128xf32>
    %mul3A = arith.constant 1.000000e-01 : f32
    %mul3A_23 = vector.broadcast %mul3A : f32 to vector<4x157x128xf32>
    %mul3A_24 = arith.mulf %get3A_22, %mul3A_23 : vector<4x157x128xf32>
    %get3A_25 = arith.constant 0 : index
    %get3A_26 = arith.constant 0 : index
    %get3A_27 = arith.constant 0 : index
    %get3A_28 = vector.load %arg6[%get3A_25, %get3A_26, %get3A_27] : memref<4x157x128xf32, #tpu.memory_space<vmem>>, vector<4x157x128xf32>
    %mul3A_29 = arith.constant 1.000000e-01 : f32
    %mul3A_30 = vector.broadcast %mul3A_29 : f32 to vector<4x157x128xf32>
    %mul3A_31 = arith.mulf %get3A_28, %mul3A_30 : vector<4x157x128xf32>
    %get3A_32 = arith.constant 0 : index
    %get3A_33 = arith.constant 0 : index
    %get3A_34 = arith.constant 0 : index
    %get3A_35 = vector.load %arg7[%get3A_32, %get3A_33, %get3A_34] : memref<4x157x128xf32, #tpu.memory_space<vmem>>, vector<4x157x128xf32>
    %mul3A_36 = arith.constant 2.000000e-01 : f32
    %mul3A_37 = vector.broadcast %mul3A_36 : f32 to vector<4x157x128xf32>
    %mul3A_38 = arith.mulf %get3A_35, %mul3A_37 : vector<4x157x128xf32>
    %get3A_39 = arith.constant 0 : index
    %get3A_40 = arith.constant 0 : index
    %get3A_41 = arith.constant 0 : index
    %get3A_42 = vector.load %arg8[%get3A_39, %get3A_40, %get3A_41] : memref<4x157x128xf32, #tpu.memory_space<vmem>>, vector<4x157x128xf32>
    %mul3A_43 = arith.constant 2.000000e-01 : f32
    %mul3A_44 = vector.broadcast %mul3A_43 : f32 to vector<4x157x128xf32>
    %mul3A_45 = arith.mulf %get3A_42, %mul3A_44 : vector<4x157x128xf32>
    %sub3A = arith.subf %get3A_14, %get3A_6 : vector<4x157x128xf32>
    %sub3A_46 = arith.subf %get3A_18, %get3A_10 : vector<4x157x128xf32>
    %mul3A_47 = arith.constant 5.000000e-01 : f32
    %mul3A_48 = vector.broadcast %mul3A_47 : f32 to vector<4x157x128xf32>
    %mul3A_49 = arith.mulf %mul3A_48, %sub3A : vector<4x157x128xf32>
    %add3A = arith.addf %get3A_6, %mul3A_49 : vector<4x157x128xf32>
    %mul3A_50 = arith.constant 5.000000e-01 : f32
    %mul3A_51 = vector.broadcast %mul3A_50 : f32 to vector<4x157x128xf32>
    %mul3A_52 = arith.mulf %mul3A_51, %sub3A_46 : vector<4x157x128xf32>
    %add3A_53 = arith.addf %get3A_10, %mul3A_52 : vector<4x157x128xf32>
    %mul3A_54 = arith.mulf %mul3A_24, %sub3A : vector<4x157x128xf32>
    %add3A_55 = arith.addf %add3A, %mul3A_54 : vector<4x157x128xf32>
    %mul3A_56 = arith.mulf %mul3A_31, %sub3A_46 : vector<4x157x128xf32>
    %add3A_57 = arith.addf %add3A_53, %mul3A_56 : vector<4x157x128xf32>
    %exp3A = math.exp %mul3A_38 : vector<4x157x128xf32>
    %mul3A_58 = arith.mulf %sub3A, %exp3A : vector<4x157x128xf32>
    %exp3A_59 = math.exp %mul3A_45 : vector<4x157x128xf32>
    %mul3A_60 = arith.mulf %sub3A_46, %exp3A_59 : vector<4x157x128xf32>
    %mul3A_61 = arith.constant 5.000000e-01 : f32
    %mul3A_62 = vector.broadcast %mul3A_61 : f32 to vector<4x157x128xf32>
    %mul3A_63 = arith.mulf %mul3A_62, %mul3A_58 : vector<4x157x128xf32>
    %sub3A_64 = arith.subf %add3A_55, %mul3A_63 : vector<4x157x128xf32>
    %mul3A_65 = arith.constant 5.000000e-01 : f32
    %mul3A_66 = vector.broadcast %mul3A_65 : f32 to vector<4x157x128xf32>
    %mul3A_67 = arith.mulf %mul3A_66, %mul3A_60 : vector<4x157x128xf32>
    %sub3A_68 = arith.subf %add3A_57, %mul3A_67 : vector<4x157x128xf32>
    %add3A_69 = arith.addf %sub3A_64, %mul3A_58 : vector<4x157x128xf32>
    %add3A_70 = arith.addf %sub3A_68, %mul3A_60 : vector<4x157x128xf32>
    %swap3A = arith.constant 0 : index
    %swap3A_71 = arith.constant 0 : index
    %swap3A_72 = arith.constant 0 : index
    %swap3A_73 = vector.load %arg9[%swap3A, %swap3A_71, %swap3A_72] : memref<4x157x128xf32, #tpu.memory_space<vmem>>, vector<4x157x128xf32>
    tpu.vector_store %arg9[%swap3A, %swap3A_71, %swap3A_72], %sub3A_64 {strides = array<i32>} : memref<4x157x128xf32, #tpu.memory_space<vmem>>, vector<4x157x128xf32>,
    %swap3A_74 = arith.constant 0 : index
    %swap3A_75 = arith.constant 0 : index
    %swap3A_76 = arith.constant 0 : index
    %swap3A_77 = vector.load %arg10[%swap3A_74, %swap3A_75, %swap3A_76] : memref<4x157x128xf32, #tpu.memory_space<vmem>>, vector<4x157x128xf32>
    tpu.vector_store %arg10[%swap3A_74, %swap3A_75, %swap3A_76], %sub3A_68 {strides = array<i32>} : memref<4x157x128xf32, #tpu.memory_space<vmem>>, vector<4x157x128xf32>,
    %swap3A_78 = arith.constant 0 : index
    %swap3A_79 = arith.constant 0 : index
    %swap3A_80 = arith.constant 0 : index
    %swap3A_81 = vector.load %arg11[%swap3A_78, %swap3A_79, %swap3A_80] : memref<4x157x128xf32, #tpu.memory_space<vmem>>, vector<4x157x128xf32>
    tpu.vector_store %arg11[%swap3A_78, %swap3A_79, %swap3A_80], %add3A_69 {strides = array<i32>} : memref<4x157x128xf32, #tpu.memory_space<vmem>>, vector<4x157x128xf32>,
    %swap3A_82 = arith.constant 0 : index
    %swap3A_83 = arith.constant 0 : index
    %swap3A_84 = arith.constant 0 : index
    %swap3A_85 = vector.load %arg12[%swap3A_82, %swap3A_83, %swap3A_84] : memref<4x157x128xf32, #tpu.memory_space<vmem>>, vector<4x157x128xf32>
    tpu.vector_store %arg12[%swap3A_82, %swap3A_83, %swap3A_84], %add3A_70 {strides = array<i32>} : memref<4x157x128xf32, #tpu.memory_space<vmem>>, vector<4x157x128xf32>,
    %bitcast_convert_type3A = tpu.bitcast %get3A_2 : vector<4x157x128xf32> -> vector<4x157x128xi32>
    %iota3A = tpu.iota {dimensions = array<i32: 1>} : vector<1x157x128xi32>
    %mul3A_86 = arith.constant 128 : i32
    %mul3A_87 = vector.broadcast %mul3A_86 : i32 to vector<1x157x128xi32>
    %mul3A_88 = arith.muli %iota3A, %mul3A_87 : vector<1x157x128xi32>
    %iota3A_89 = tpu.iota {dimensions = array<i32: 2>} : vector<1x157x128xi32>
    %add3A_90 = arith.addi %mul3A_88, %iota3A_89 : vector<1x157x128xi32>
    %broadcast_in_dim3A = arith.constant -1 : i32
    %broadcast_in_dim3A_91 = vector.broadcast %broadcast_in_dim3A : i32 to vector<4x1x1xi32>
    %broadcast_in_dim3A_92 = arith.constant 2139095040 : i32
    %broadcast_in_dim3A_93 = vector.broadcast %broadcast_in_dim3A_92 : i32 to vector<4x1x1xi32>
    %scan3A = arith.constant 0 : i32
    %scan3A_94 = arith.constant 31 : i32
    %scan3A_95 = arith.addi %scan3A, %scan3A_94 : i32
    %scan3A_96 = arith.constant 1 : i32
    %scan3A_97:2 = scf.for %scan3A_151 = %scan3A to %scan3A_95 step %scan3A_96 iter_args(%scan3A_152 = %broadcast_in_dim3A_91, %scan3A_153 = %broadcast_in_dim3A_93) -> (vector<4x1x1xi32>, vector<4x1x1xi32>)  : i32 {
      %sub3A_154 = arith.subi %scan3A_153, %scan3A_152 : vector<4x1x1xi32>
      %jit3A = arith.constant 2 : i32
      %div3A = vector.broadcast %jit3A : i32 to vector<4x1x1xi32>
      %div3A_155 = arith.divsi %sub3A_154, %div3A : vector<4x1x1xi32>
      %sign3A = arith.constant 0 : i32
      %sign3A_156 = vector.broadcast %sign3A : i32 to vector<4x1x1xi32>
      %sign3A_157 = arith.cmpi sgt, %sub3A_154, %sign3A_156 : vector<4x1x1xi32>
      %sign3A_158 = arith.extui %sign3A_157 : vector<4x1x1xi1> to vector<4x1x1xi32>
      %sign3A_159 = arith.constant 0 : i32
      %sign3A_160 = vector.broadcast %sign3A_159 : i32 to vector<4x1x1xi32>
      %sign3A_161 = arith.cmpi slt, %sub3A_154, %sign3A_160 : vector<4x1x1xi32>
      %sign3A_162 = arith.extui %sign3A_161 : vector<4x1x1xi1> to vector<4x1x1xi32>
      %sign3A_163 = arith.subi %sign3A_158, %sign3A_162 : vector<4x1x1xi32>
      %sign3A_164 = arith.constant 0 : i32
      %sign3A_165 = arith.cmpi sgt, %jit3A, %sign3A_164 : i32
      %sign3A_166 = arith.extui %sign3A_165 : i1 to i32
      %sign3A_167 = arith.constant 0 : i32
      %sign3A_168 = arith.cmpi slt, %jit3A, %sign3A_167 : i32
      %sign3A_169 = arith.extui %sign3A_168 : i1 to i32
      %sign3A_170 = arith.subi %sign3A_166, %sign3A_169 : i32
      %ne3A = vector.broadcast %sign3A_170 : i32 to vector<4x1x1xi32>
      %ne3A_171 = arith.cmpi ne, %sign3A_163, %ne3A : vector<4x1x1xi32>
      %rem3A = vector.broadcast %jit3A : i32 to vector<4x1x1xi32>
      %rem3A_172 = arith.remsi %sub3A_154, %rem3A : vector<4x1x1xi32>
      %ne3A_173 = arith.constant 0 : i32
      %ne3A_174 = vector.broadcast %ne3A_173 : i32 to vector<4x1x1xi32>
      %ne3A_175 = arith.cmpi ne, %rem3A_172, %ne3A_174 : vector<4x1x1xi32>
      %and3A_176 = arith.andi %ne3A_171, %ne3A_175 : vector<4x1x1xi1>
      %sub3A_177 = arith.constant 1 : i32
      %sub3A_178 = vector.broadcast %sub3A_177 : i32 to vector<4x1x1xi32>
      %sub3A_179 = arith.subi %div3A_155, %sub3A_178 : vector<4x1x1xi32>
      %select_n3A_180 = arith.select %and3A_176, %sub3A_179, %div3A_155 : vector<4x1x1xi1>, vector<4x1x1xi32>
      %add3A_181 = arith.addi %scan3A_152, %select_n3A_180 : vector<4x1x1xi32>
      %gt3A_182 = vector.broadcast %add3A_181 : vector<4x1x1xi32> to vector<4x157x128xi32>
      %gt3A_183 = arith.cmpi sgt, %bitcast_convert_type3A, %gt3A_182 : vector<4x157x128xi32>
      %convert_element_type3A_184 = arith.extui %gt3A_183 : vector<4x157x128xi1> to vector<4x157x128xi32>
      %reduce_sum3A_185 = arith.constant dense<0> : vector<4xi32>
      %reduce_sum3A_186 = vector.multi_reduction <add>, %convert_element_type3A_184, %reduce_sum3A_185 [1, 2] : vector<4x157x128xi32> to vector<4xi32>
      %broadcast_in_dim3A_187 = vector.shape_cast %reduce_sum3A_186 : vector<4xi32> to vector<4x1x1xi32>
      %ge3A = arith.constant 6000 : i32
      %ge3A_188 = vector.broadcast %ge3A : i32 to vector<4x1x1xi32>
      %ge3A_189 = arith.cmpi sge, %broadcast_in_dim3A_187, %ge3A_188 : vector<4x1x1xi32>
      %select_n3A_190 = arith.select %ge3A_189, %add3A_181, %scan3A_152 : vector<4x1x1xi1>, vector<4x1x1xi32>
      %select_n3A_191 = arith.select %ge3A_189, %scan3A_153, %add3A_181 : vector<4x1x1xi1>, vector<4x1x1xi32>
      scf.yield %select_n3A_190, %select_n3A_191 : vector<4x1x1xi32>, vector<4x1x1xi32>
    }
    %gt3A = vector.broadcast %scan3A_97#1 : vector<4x1x1xi32> to vector<4x157x128xi32>
    %gt3A_98 = arith.cmpi sgt, %bitcast_convert_type3A, %gt3A : vector<4x157x128xi32>
    %convert_element_type3A = arith.extui %gt3A_98 : vector<4x157x128xi1> to vector<4x157x128xi32>
    %reduce_sum3A = arith.constant dense<0> : vector<4xi32>
    %reduce_sum3A_99 = vector.multi_reduction <add>, %convert_element_type3A, %reduce_sum3A [1, 2] : vector<4x157x128xi32> to vector<4xi32>
    %broadcast_in_dim3A_100 = vector.shape_cast %reduce_sum3A_99 : vector<4xi32> to vector<4x1x1xi32>
    %sub3A_101 = arith.constant 6000 : i32
    %sub3A_102 = vector.broadcast %sub3A_101 : i32 to vector<4x1x1xi32>
    %sub3A_103 = arith.subi %sub3A_102, %broadcast_in_dim3A_100 : vector<4x1x1xi32>
    %eq3A = vector.broadcast %scan3A_97#1 : vector<4x1x1xi32> to vector<4x157x128xi32>
    %eq3A_104 = arith.cmpi eq, %bitcast_convert_type3A, %eq3A : vector<4x157x128xi32>
    %broadcast_in_dim3A_105 = arith.constant -1 : i32
    %broadcast_in_dim3A_106 = vector.broadcast %broadcast_in_dim3A_105 : i32 to vector<4x1x1xi32>
    %broadcast_in_dim3A_107 = arith.constant 20095 : i32
    %broadcast_in_dim3A_108 = vector.broadcast %broadcast_in_dim3A_107 : i32 to vector<4x1x1xi32>
    %scan3A_109 = arith.constant 0 : i32
    %scan3A_110 = arith.constant 15 : i32
    %scan3A_111 = arith.addi %scan3A_109, %scan3A_110 : i32
    %scan3A_112 = arith.constant 1 : i32
    %scan3A_113:2 = scf.for %scan3A_151 = %scan3A_109 to %scan3A_111 step %scan3A_112 iter_args(%scan3A_152 = %broadcast_in_dim3A_106, %scan3A_153 = %broadcast_in_dim3A_108) -> (vector<4x1x1xi32>, vector<4x1x1xi32>)  : i32 {
      %sub3A_154 = arith.subi %scan3A_153, %scan3A_152 : vector<4x1x1xi32>
      %jit3A = arith.constant 2 : i32
      %div3A = vector.broadcast %jit3A : i32 to vector<4x1x1xi32>
      %div3A_155 = arith.divsi %sub3A_154, %div3A : vector<4x1x1xi32>
      %sign3A = arith.constant 0 : i32
      %sign3A_156 = vector.broadcast %sign3A : i32 to vector<4x1x1xi32>
      %sign3A_157 = arith.cmpi sgt, %sub3A_154, %sign3A_156 : vector<4x1x1xi32>
      %sign3A_158 = arith.extui %sign3A_157 : vector<4x1x1xi1> to vector<4x1x1xi32>
      %sign3A_159 = arith.constant 0 : i32
      %sign3A_160 = vector.broadcast %sign3A_159 : i32 to vector<4x1x1xi32>
      %sign3A_161 = arith.cmpi slt, %sub3A_154, %sign3A_160 : vector<4x1x1xi32>
      %sign3A_162 = arith.extui %sign3A_161 : vector<4x1x1xi1> to vector<4x1x1xi32>
      %sign3A_163 = arith.subi %sign3A_158, %sign3A_162 : vector<4x1x1xi32>
      %sign3A_164 = arith.constant 0 : i32
      %sign3A_165 = arith.cmpi sgt, %jit3A, %sign3A_164 : i32
      %sign3A_166 = arith.extui %sign3A_165 : i1 to i32
      %sign3A_167 = arith.constant 0 : i32
      %sign3A_168 = arith.cmpi slt, %jit3A, %sign3A_167 : i32
      %sign3A_169 = arith.extui %sign3A_168 : i1 to i32
      %sign3A_170 = arith.subi %sign3A_166, %sign3A_169 : i32
      %ne3A = vector.broadcast %sign3A_170 : i32 to vector<4x1x1xi32>
      %ne3A_171 = arith.cmpi ne, %sign3A_163, %ne3A : vector<4x1x1xi32>
      %rem3A = vector.broadcast %jit3A : i32 to vector<4x1x1xi32>
      %rem3A_172 = arith.remsi %sub3A_154, %rem3A : vector<4x1x1xi32>
      %ne3A_173 = arith.constant 0 : i32
      %ne3A_174 = vector.broadcast %ne3A_173 : i32 to vector<4x1x1xi32>
      %ne3A_175 = arith.cmpi ne, %rem3A_172, %ne3A_174 : vector<4x1x1xi32>
      %and3A_176 = arith.andi %ne3A_171, %ne3A_175 : vector<4x1x1xi1>
      %sub3A_177 = arith.constant 1 : i32
      %sub3A_178 = vector.broadcast %sub3A_177 : i32 to vector<4x1x1xi32>
      %sub3A_179 = arith.subi %div3A_155, %sub3A_178 : vector<4x1x1xi32>
      %select_n3A_180 = arith.select %and3A_176, %sub3A_179, %div3A_155 : vector<4x1x1xi1>, vector<4x1x1xi32>
      %add3A_181 = arith.addi %scan3A_152, %select_n3A_180 : vector<4x1x1xi32>
      %le3A_182 = vector.broadcast %add3A_90 : vector<1x157x128xi32> to vector<4x157x128xi32>
      %le3A_183 = vector.broadcast %add3A_181 : vector<4x1x1xi32> to vector<4x157x128xi32>
      %le3A_184 = arith.cmpi sle, %le3A_182, %le3A_183 : vector<4x157x128xi32>
      %and3A_185 = arith.andi %eq3A_104, %le3A_184 : vector<4x157x128xi1>
      %convert_element_type3A_186 = arith.extui %and3A_185 : vector<4x157x128xi1> to vector<4x157x128xi32>
      %reduce_sum3A_187 = arith.constant dense<0> : vector<4xi32>
      %reduce_sum3A_188 = vector.multi_reduction <add>, %convert_element_type3A_186, %reduce_sum3A_187 [1, 2] : vector<4x157x128xi32> to vector<4xi32>
      %broadcast_in_dim3A_189 = vector.shape_cast %reduce_sum3A_188 : vector<4xi32> to vector<4x1x1xi32>
      %ge3A = arith.cmpi sge, %broadcast_in_dim3A_189, %sub3A_103 : vector<4x1x1xi32>
      %select_n3A_190 = arith.select %ge3A, %scan3A_152, %add3A_181 : vector<4x1x1xi1>, vector<4x1x1xi32>
      %select_n3A_191 = arith.select %ge3A, %add3A_181, %scan3A_153 : vector<4x1x1xi1>, vector<4x1x1xi32>
      scf.yield %select_n3A_190, %select_n3A_191 : vector<4x1x1xi32>, vector<4x1x1xi32>
    }
    %gt3A_114 = vector.broadcast %scan3A_97#1 : vector<4x1x1xi32> to vector<4x157x128xi32>
    %gt3A_115 = arith.cmpi sgt, %bitcast_convert_type3A, %gt3A_114 : vector<4x157x128xi32>
    %le3A = vector.broadcast %add3A_90 : vector<1x157x128xi32> to vector<4x157x128xi32>
    %le3A_116 = vector.broadcast %scan3A_113#1 : vector<4x1x1xi32> to vector<4x157x128xi32>
    %le3A_117 = arith.cmpi sle, %le3A, %le3A_116 : vector<4x157x128xi32>
    %and3A = arith.andi %eq3A_104, %le3A_117 : vector<4x157x128xi1>
    %or3A = arith.ori %gt3A_115, %and3A : vector<4x157x128xi1>
    %convert_element_type3A_118 = arith.extui %or3A : vector<4x157x128xi1> to vector<4x157x128xi32>
    %convert_element_type3A_119 = arith.sitofp %convert_element_type3A_118 : vector<4x157x128xi32> to vector<4x157x128xf32>
    %iota3A_120 = tpu.iota {dimensions = array<i32: 0>} : vector<128x128xi32>
    %iota3A_121 = tpu.iota {dimensions = array<i32: 1>} : vector<128x128xi32>
    %lt3A = arith.cmpi slt, %iota3A_120, %iota3A_121 : vector<128x128xi32>
    %convert_element_type3A_122 = arith.extui %lt3A : vector<128x128xi1> to vector<128x128xi32>
    %convert_element_type3A_123 = arith.sitofp %convert_element_type3A_122 : vector<128x128xi32> to vector<128x128xf32>
    %reshape3A = vector.shape_cast %convert_element_type3A_119 : vector<4x157x128xf32> to vector<628x128xf32>
    %dot_general3A = arith.constant dense<0.000000e+00> : vector<628x128xf32>
    %dot_general3A_124 = tpu.matmul %reshape3A, %convert_element_type3A_123, %dot_general3A {dimension_numbers = #tpu.dot_dimension_numbers<[1], [0], [0], [1], [0, 0, 1, 1], [], []>, transpose_lhs_hint = false} : vector<628x128xf32>, vector<128x128xf32>, vector<628x128xf32> -> vector<628x128xf32>
    %reshape3A_125 = vector.shape_cast %dot_general3A_124 : vector<628x128xf32> to vector<4x157x128xf32>
    %reduce_sum3A_126 = arith.constant dense<0.000000e+00> : vector<4x157xf32>
    %reduce_sum3A_127 = vector.multi_reduction <add>, %convert_element_type3A_119, %reduce_sum3A_126 [2] : vector<4x157x128xf32> to vector<4x157xf32>
    %iota3A_128 = tpu.iota {dimensions = array<i32: 0>} : vector<157x157xi32>
    %iota3A_129 = tpu.iota {dimensions = array<i32: 1>} : vector<157x157xi32>
    %lt3A_130 = arith.cmpi slt, %iota3A_128, %iota3A_129 : vector<157x157xi32>
    %convert_element_type3A_131 = arith.extui %lt3A_130 : vector<157x157xi1> to vector<157x157xi32>
    %convert_element_type3A_132 = arith.sitofp %convert_element_type3A_131 : vector<157x157xi32> to vector<157x157xf32>
    %dot_general3A_133 = arith.constant dense<0.000000e+00> : vector<4x157xf32>
    %dot_general3A_134 = tpu.matmul %reduce_sum3A_127, %convert_element_type3A_132, %dot_general3A_133 {dimension_numbers = #tpu.dot_dimension_numbers<[1], [0], [0], [1], [0, 0, 1, 1], [], []>, transpose_lhs_hint = false} : vector<4x157xf32>, vector<157x157xf32>, vector<4x157xf32> -> vector<4x157xf32>
    %broadcast_in_dim3A_135 = vector.shape_cast %dot_general3A_134 : vector<4x157xf32> to vector<4x157x1xf32>
    %add3A_136 = vector.broadcast %broadcast_in_dim3A_135 : vector<4x157x1xf32> to vector<4x157x128xf32>
    %add3A_137 = arith.addf %add3A_136, %reshape3A_125 : vector<4x157x128xf32>
    %convert_element_type3A_138 = arith.fptosi %add3A_137 : vector<4x157x128xf32> to vector<4x157x128xi32>
    %and3A_139 = arith.constant 2047 : i32
    %and3A_140 = vector.broadcast %and3A_139 : i32 to vector<1x157x128xi32>
    %and3A_141 = arith.andi %add3A_90, %and3A_140 : vector<1x157x128xi32>
    %add3A_142 = arith.constant 6144 : i32
    %add3A_143 = vector.broadcast %add3A_142 : i32 to vector<1x157x128xi32>
    %add3A_144 = arith.addi %add3A_143, %and3A_141 : vector<1x157x128xi32>
    %broadcast_in_dim3A_145 = vector.shape_cast %add3A_144 : vector<1x157x128xi32> to vector<1x157x128xi32>
    %broadcast_in_dim3A_146 = vector.broadcast %broadcast_in_dim3A_145 : vector<1x157x128xi32> to vector<4x157x128xi32>
    %select_n3A = arith.select %or3A, %convert_element_type3A_138, %broadcast_in_dim3A_146 : vector<4x157x128xi1>, vector<4x157x128xi32>
    %swap3A_147 = arith.constant 0 : index
    %swap3A_148 = arith.constant 0 : index
    %swap3A_149 = arith.constant 0 : index
    %swap3A_150 = vector.load %arg13[%swap3A_147, %swap3A_148, %swap3A_149] : memref<4x157x128xi32, #tpu.memory_space<vmem>>, vector<4x157x128xi32>
    tpu.vector_store %arg13[%swap3A_147, %swap3A_148, %swap3A_149], %select_n3A {strides = array<i32>} : memref<4x157x128xi32, #tpu.memory_space<vmem>>, vector<4x157x128xi32>,
    return
  }
}

module attributes {stable_mosaic.version = 14 : i64} {
  func.func @_stage_b_body(%arg0: memref<4x48x128xf32, #tpu.memory_space<vmem>>, %arg1: memref<4x48x128xf32, #tpu.memory_space<vmem>>, %arg2: memref<4x48x128xf32, #tpu.memory_space<vmem>>, %arg3: memref<4x48x128xf32, #tpu.memory_space<vmem>>, %arg4: memref<4x48x128xf32, #tpu.memory_space<vmem>>, %arg5: memref<4x1000x4xf32, #tpu.memory_space<vmem>>) attributes {dimension_semantics = [], scalar_prefetch = 0 : i64, scratch_operands = 0 : i64, tpu.core_type = #tpu.core_type<tc>} {
    %iota3A = tpu.iota {dimensions = array<i32: 1>} : vector<1x48x128xi32>
    %mul3A = arith.constant 128 : i32
    %mul3A_0 = vector.broadcast %mul3A : i32 to vector<1x48x128xi32>
    %mul3A_1 = arith.muli %iota3A, %mul3A_0 : vector<1x48x128xi32>
    %iota3A_2 = tpu.iota {dimensions = array<i32: 2>} : vector<1x48x128xi32>
    %add3A = arith.addi %mul3A_1, %iota3A_2 : vector<1x48x128xi32>
    %iota3A_3 = tpu.iota {dimensions = array<i32: 2>} : vector<1x1x4xi32>
    %lt3A = arith.constant 6000 : i32
    %lt3A_4 = vector.broadcast %lt3A : i32 to vector<1x48x128xi32>
    %lt3A_5 = arith.cmpi slt, %add3A, %lt3A_4 : vector<1x48x128xi32>
    %get3A = arith.constant 0 : index
    %get3A_6 = arith.constant 0 : index
    %get3A_7 = arith.constant 0 : index
    %get3A_8 = vector.load %arg0[%get3A, %get3A_6, %get3A_7] : memref<4x48x128xf32, #tpu.memory_space<vmem>>, vector<4x48x128xf32>
    %jit3A = arith.constant -1.000000e+09 : f32
    %broadcast_in_dim3A = vector.shape_cast %lt3A_5 : vector<1x48x128xi1> to vector<1x48x128xi1>
    %broadcast_in_dim3A_9 = vector.broadcast %broadcast_in_dim3A : vector<1x48x128xi1> to vector<4x48x128xi1>
    %broadcast_in_dim3A_10 = vector.broadcast %jit3A : f32 to vector<4x48x128xf32>
    %select_n3A = arith.select %broadcast_in_dim3A_9, %get3A_8, %broadcast_in_dim3A_10 : vector<4x48x128xi1>, vector<4x48x128xf32>
    %scan3A = arith.constant 0 : i32
    %scan3A_11 = arith.constant 1000 : i32
    %scan3A_12 = arith.addi %scan3A, %scan3A_11 : i32
    %scan3A_13 = arith.constant 1 : i32
    %scan3A_14 = scf.for %scan3A_16 = %scan3A to %scan3A_12 step %scan3A_13 iter_args(%scan3A_17 = %select_n3A) -> (vector<4x48x128xf32>)  : i32 {
      %get3A_18 = arith.constant 0 : index
      %get3A_19 = arith.constant 0 : index
      %get3A_20 = arith.constant 0 : index
      %get3A_21 = vector.load %arg1[%get3A_18, %get3A_19, %get3A_20] : memref<4x48x128xf32, #tpu.memory_space<vmem>>, vector<4x48x128xf32>
      %get3A_22 = arith.constant 0 : index
      %get3A_23 = arith.constant 0 : index
      %get3A_24 = arith.constant 0 : index
      %get3A_25 = vector.load %arg2[%get3A_22, %get3A_23, %get3A_24] : memref<4x48x128xf32, #tpu.memory_space<vmem>>, vector<4x48x128xf32>
      %get3A_26 = arith.constant 0 : index
      %get3A_27 = arith.constant 0 : index
      %get3A_28 = arith.constant 0 : index
      %get3A_29 = vector.load %arg3[%get3A_26, %get3A_27, %get3A_28] : memref<4x48x128xf32, #tpu.memory_space<vmem>>, vector<4x48x128xf32>
      %get3A_30 = arith.constant 0 : index
      %get3A_31 = arith.constant 0 : index
      %get3A_32 = arith.constant 0 : index
      %get3A_33 = vector.load %arg4[%get3A_30, %get3A_31, %get3A_32] : memref<4x48x128xf32, #tpu.memory_space<vmem>>, vector<4x48x128xf32>
      %sub3A = arith.subf %get3A_29, %get3A_21 : vector<4x48x128xf32>
      %sub3A_34 = arith.subf %get3A_33, %get3A_25 : vector<4x48x128xf32>
      %mul3A_35 = arith.mulf %sub3A, %sub3A_34 : vector<4x48x128xf32>
      %reduce_max3A = arith.constant dense<0xFF800000> : vector<4xf32>
      %reduce_max3A_36 = vector.multi_reduction <maximumf>, %scan3A_17, %reduce_max3A [1, 2] : vector<4x48x128xf32> to vector<4xf32>
      %broadcast_in_dim3A_37 = vector.shape_cast %reduce_max3A_36 : vector<4xf32> to vector<4x1x1xf32>
      %gt3A = arith.constant -5.000000e+08 : f32
      %gt3A_38 = vector.broadcast %gt3A : f32 to vector<4x1x1xf32>
      %gt3A_39 = arith.cmpf ogt, %broadcast_in_dim3A_37, %gt3A_38 : vector<4x1x1xf32>
      %eq3A = vector.broadcast %broadcast_in_dim3A_37 : vector<4x1x1xf32> to vector<4x48x128xf32>
      %eq3A_40 = arith.cmpf oeq, %scan3A_17, %eq3A : vector<4x48x128xf32>
      %jit3A_41 = arith.constant 2147483647 : i32
      %broadcast_in_dim3A_42 = vector.shape_cast %add3A : vector<1x48x128xi32> to vector<1x48x128xi32>
      %broadcast_in_dim3A_43 = vector.broadcast %broadcast_in_dim3A_42 : vector<1x48x128xi32> to vector<4x48x128xi32>
      %broadcast_in_dim3A_44 = vector.broadcast %jit3A_41 : i32 to vector<4x48x128xi32>
      %select_n3A_45 = arith.select %eq3A_40, %broadcast_in_dim3A_43, %broadcast_in_dim3A_44 : vector<4x48x128xi1>, vector<4x48x128xi32>
      %reduce_min3A = arith.constant dense<2147483647> : vector<4xi32>
      %reduce_min3A_46 = vector.multi_reduction <minsi>, %select_n3A_45, %reduce_min3A [1, 2] : vector<4x48x128xi32> to vector<4xi32>
      %broadcast_in_dim3A_47 = vector.shape_cast %reduce_min3A_46 : vector<4xi32> to vector<4x1x1xi32>
      %eq3A_48 = vector.broadcast %add3A : vector<1x48x128xi32> to vector<4x48x128xi32>
      %eq3A_49 = vector.broadcast %broadcast_in_dim3A_47 : vector<4x1x1xi32> to vector<4x48x128xi32>
      %eq3A_50 = arith.cmpi eq, %eq3A_48, %eq3A_49 : vector<4x48x128xi32>
      %stack3A = vector.shape_cast %get3A_21 : vector<4x48x128xf32> to vector<4x1x48x128xf32>
      %stack3A_51 = vector.shape_cast %get3A_25 : vector<4x48x128xf32> to vector<4x1x48x128xf32>
      %stack3A_52 = vector.shape_cast %get3A_29 : vector<4x48x128xf32> to vector<4x1x48x128xf32>
      %stack3A_53 = vector.shape_cast %get3A_33 : vector<4x48x128xf32> to vector<4x1x48x128xf32>
      %stack3A_54 = tpu.concatenate %stack3A, %stack3A_51, %stack3A_52, %stack3A_53 in 1 : vector<4x1x48x128xf32>, vector<4x1x48x128xf32>, vector<4x1x48x128xf32>, vector<4x1x48x128xf32> -> vector<4x4x48x128xf32>
      %broadcast_in_dim3A_55 = vector.shape_cast %eq3A_50 : vector<4x48x128xi1> to vector<4x1x48x128xi1>
      %jit3A_56 = arith.constant 0.000000e+00 : f32
      %broadcast_in_dim3A_57 = vector.shape_cast %broadcast_in_dim3A_55 : vector<4x1x48x128xi1> to vector<4x1x48x128xi1>
      %broadcast_in_dim3A_58 = vector.broadcast %broadcast_in_dim3A_57 : vector<4x1x48x128xi1> to vector<4x4x48x128xi1>
      %broadcast_in_dim3A_59 = vector.broadcast %jit3A_56 : f32 to vector<4x4x48x128xf32>
      %select_n3A_60 = arith.select %broadcast_in_dim3A_58, %stack3A_54, %broadcast_in_dim3A_59 : vector<4x4x48x128xi1>, vector<4x4x48x128xf32>
      %reduce_sum3A = arith.constant dense<0.000000e+00> : vector<4x4xf32>
      %reduce_sum3A_61 = vector.multi_reduction <add>, %select_n3A_60, %reduce_sum3A [2, 3] : vector<4x4x48x128xf32> to vector<4x4xf32>
      %broadcast_in_dim3A_62 = vector.shape_cast %reduce_sum3A_61 : vector<4x4xf32> to vector<4x4x1x1xf32>
      %slice3A = vector.extract_strided_slice %broadcast_in_dim3A_62 {offsets = [0, 0, 0, 0], sizes = [4, 1, 1, 1], strides = [1, 1, 1, 1]} : vector<4x4x1x1xf32> to vector<4x1x1x1xf32>
      %squeeze3A = vector.shape_cast %slice3A : vector<4x1x1x1xf32> to vector<4x1x1xf32>
      %slice3A_63 = vector.extract_strided_slice %broadcast_in_dim3A_62 {offsets = [0, 1, 0, 0], sizes = [4, 1, 1, 1], strides = [1, 1, 1, 1]} : vector<4x4x1x1xf32> to vector<4x1x1x1xf32>
      %squeeze3A_64 = vector.shape_cast %slice3A_63 : vector<4x1x1x1xf32> to vector<4x1x1xf32>
      %slice3A_65 = vector.extract_strided_slice %broadcast_in_dim3A_62 {offsets = [0, 2, 0, 0], sizes = [4, 1, 1, 1], strides = [1, 1, 1, 1]} : vector<4x4x1x1xf32> to vector<4x1x1x1xf32>
      %squeeze3A_66 = vector.shape_cast %slice3A_65 : vector<4x1x1x1xf32> to vector<4x1x1xf32>
      %slice3A_67 = vector.extract_strided_slice %broadcast_in_dim3A_62 {offsets = [0, 3, 0, 0], sizes = [4, 1, 1, 1], strides = [1, 1, 1, 1]} : vector<4x4x1x1xf32> to vector<4x1x1x1xf32>
      %squeeze3A_68 = vector.shape_cast %slice3A_67 : vector<4x1x1x1xf32> to vector<4x1x1xf32>
      %max3A = vector.broadcast %squeeze3A : vector<4x1x1xf32> to vector<4x48x128xf32>
      %max3A_69 = arith.maximumf %max3A, %get3A_21 : vector<4x48x128xf32>
      %max3A_70 = vector.broadcast %squeeze3A_64 : vector<4x1x1xf32> to vector<4x48x128xf32>
      %max3A_71 = arith.maximumf %max3A_70, %get3A_25 : vector<4x48x128xf32>
      %min3A = vector.broadcast %squeeze3A_66 : vector<4x1x1xf32> to vector<4x48x128xf32>
      %min3A_72 = arith.minimumf %min3A, %get3A_29 : vector<4x48x128xf32>
      %min3A_73 = vector.broadcast %squeeze3A_68 : vector<4x1x1xf32> to vector<4x48x128xf32>
      %min3A_74 = arith.minimumf %min3A_73, %get3A_33 : vector<4x48x128xf32>
      %sub3A_75 = arith.subf %min3A_72, %max3A_69 : vector<4x48x128xf32>
      %max3A_76 = arith.constant 0.000000e+00 : f32
      %max3A_77 = vector.broadcast %max3A_76 : f32 to vector<4x48x128xf32>
      %max3A_78 = arith.maximumf %sub3A_75, %max3A_77 : vector<4x48x128xf32>
      %sub3A_79 = arith.subf %min3A_74, %max3A_71 : vector<4x48x128xf32>
      %max3A_80 = arith.constant 0.000000e+00 : f32
      %max3A_81 = vector.broadcast %max3A_80 : f32 to vector<4x48x128xf32>
      %max3A_82 = arith.maximumf %sub3A_79, %max3A_81 : vector<4x48x128xf32>
      %mul3A_83 = arith.mulf %max3A_78, %max3A_82 : vector<4x48x128xf32>
      %sub3A_84 = arith.subf %squeeze3A_66, %squeeze3A : vector<4x1x1xf32>
      %sub3A_85 = arith.subf %squeeze3A_68, %squeeze3A_64 : vector<4x1x1xf32>
      %mul3A_86 = arith.mulf %sub3A_84, %sub3A_85 : vector<4x1x1xf32>
      %add3A_87 = vector.broadcast %mul3A_86 : vector<4x1x1xf32> to vector<4x48x128xf32>
      %add3A_88 = arith.addf %add3A_87, %mul3A_35 : vector<4x48x128xf32>
      %sub3A_89 = arith.subf %add3A_88, %mul3A_83 : vector<4x48x128xf32>
      %add3A_90 = arith.constant 9.99999993E-9 : f32
      %add3A_91 = vector.broadcast %add3A_90 : f32 to vector<4x48x128xf32>
      %add3A_92 = arith.addf %sub3A_89, %add3A_91 : vector<4x48x128xf32>
      %div3A = arith.divf %mul3A_83, %add3A_92 : vector<4x48x128xf32>
      %gt3A_93 = arith.constant 5.000000e-01 : f32
      %gt3A_94 = vector.broadcast %gt3A_93 : f32 to vector<4x48x128xf32>
      %gt3A_95 = arith.cmpf ogt, %div3A, %gt3A_94 : vector<4x48x128xf32>
      %and3A = vector.broadcast %gt3A_39 : vector<4x1x1xi1> to vector<4x48x128xi1>
      %and3A_96 = arith.andi %gt3A_95, %and3A : vector<4x48x128xi1>
      %or3A = arith.ori %and3A_96, %eq3A_50 : vector<4x48x128xi1>
      %eq3A_97 = arith.constant 0 : i32
      %eq3A_98 = vector.broadcast %eq3A_97 : i32 to vector<1x1x4xi32>
      %eq3A_99 = arith.cmpi eq, %iota3A_3, %eq3A_98 : vector<1x1x4xi32>
      %jit3A_100 = arith.constant 0.000000e+00 : f32
      %broadcast_in_dim3A_101 = vector.shape_cast %eq3A_99 : vector<1x1x4xi1> to vector<1x1x4xi1>
      %broadcast_in_dim3A_102 = vector.broadcast %broadcast_in_dim3A_101 : vector<1x1x4xi1> to vector<4x1x4xi1>
      %broadcast_in_dim3A_103 = vector.shape_cast %squeeze3A : vector<4x1x1xf32> to vector<4x1x1xf32>
      %broadcast_in_dim3A_104 = vector.broadcast %broadcast_in_dim3A_103 : vector<4x1x1xf32> to vector<4x1x4xf32>
      %broadcast_in_dim3A_105 = vector.broadcast %jit3A_100 : f32 to vector<4x1x4xf32>
      %select_n3A_106 = arith.select %broadcast_in_dim3A_102, %broadcast_in_dim3A_104, %broadcast_in_dim3A_105 : vector<4x1x4xi1>, vector<4x1x4xf32>
      %eq3A_107 = arith.constant 1 : i32
      %eq3A_108 = vector.broadcast %eq3A_107 : i32 to vector<1x1x4xi32>
      %eq3A_109 = arith.cmpi eq, %iota3A_3, %eq3A_108 : vector<1x1x4xi32>
      %jit3A_110 = arith.constant 0.000000e+00 : f32
      %broadcast_in_dim3A_111 = vector.shape_cast %eq3A_109 : vector<1x1x4xi1> to vector<1x1x4xi1>
      %broadcast_in_dim3A_112 = vector.broadcast %broadcast_in_dim3A_111 : vector<1x1x4xi1> to vector<4x1x4xi1>
      %broadcast_in_dim3A_113 = vector.shape_cast %squeeze3A_64 : vector<4x1x1xf32> to vector<4x1x1xf32>
      %broadcast_in_dim3A_114 = vector.broadcast %broadcast_in_dim3A_113 : vector<4x1x1xf32> to vector<4x1x4xf32>
      %broadcast_in_dim3A_115 = vector.broadcast %jit3A_110 : f32 to vector<4x1x4xf32>
      %select_n3A_116 = arith.select %broadcast_in_dim3A_112, %broadcast_in_dim3A_114, %broadcast_in_dim3A_115 : vector<4x1x4xi1>, vector<4x1x4xf32>
      %add3A_117 = arith.addf %select_n3A_106, %select_n3A_116 : vector<4x1x4xf32>
      %eq3A_118 = arith.constant 2 : i32
      %eq3A_119 = vector.broadcast %eq3A_118 : i32 to vector<1x1x4xi32>
      %eq3A_120 = arith.cmpi eq, %iota3A_3, %eq3A_119 : vector<1x1x4xi32>
      %jit3A_121 = arith.constant 0.000000e+00 : f32
      %broadcast_in_dim3A_122 = vector.shape_cast %eq3A_120 : vector<1x1x4xi1> to vector<1x1x4xi1>
      %broadcast_in_dim3A_123 = vector.broadcast %broadcast_in_dim3A_122 : vector<1x1x4xi1> to vector<4x1x4xi1>
      %broadcast_in_dim3A_124 = vector.shape_cast %squeeze3A_66 : vector<4x1x1xf32> to vector<4x1x1xf32>
      %broadcast_in_dim3A_125 = vector.broadcast %broadcast_in_dim3A_124 : vector<4x1x1xf32> to vector<4x1x4xf32>
      %broadcast_in_dim3A_126 = vector.broadcast %jit3A_121 : f32 to vector<4x1x4xf32>
      %select_n3A_127 = arith.select %broadcast_in_dim3A_123, %broadcast_in_dim3A_125, %broadcast_in_dim3A_126 : vector<4x1x4xi1>, vector<4x1x4xf32>
      %add3A_128 = arith.addf %add3A_117, %select_n3A_127 : vector<4x1x4xf32>
      %eq3A_129 = arith.constant 3 : i32
      %eq3A_130 = vector.broadcast %eq3A_129 : i32 to vector<1x1x4xi32>
      %eq3A_131 = arith.cmpi eq, %iota3A_3, %eq3A_130 : vector<1x1x4xi32>
      %jit3A_132 = arith.constant 0.000000e+00 : f32
      %broadcast_in_dim3A_133 = vector.shape_cast %eq3A_131 : vector<1x1x4xi1> to vector<1x1x4xi1>
      %broadcast_in_dim3A_134 = vector.broadcast %broadcast_in_dim3A_133 : vector<1x1x4xi1> to vector<4x1x4xi1>
      %broadcast_in_dim3A_135 = vector.shape_cast %squeeze3A_68 : vector<4x1x1xf32> to vector<4x1x1xf32>
      %broadcast_in_dim3A_136 = vector.broadcast %broadcast_in_dim3A_135 : vector<4x1x1xf32> to vector<4x1x4xf32>
      %broadcast_in_dim3A_137 = vector.broadcast %jit3A_132 : f32 to vector<4x1x4xf32>
      %select_n3A_138 = arith.select %broadcast_in_dim3A_134, %broadcast_in_dim3A_136, %broadcast_in_dim3A_137 : vector<4x1x4xi1>, vector<4x1x4xf32>
      %add3A_139 = arith.addf %add3A_128, %select_n3A_138 : vector<4x1x4xf32>
      %jit3A_140 = arith.constant 0.000000e+00 : f32
      %broadcast_in_dim3A_141 = vector.shape_cast %gt3A_39 : vector<4x1x1xi1> to vector<4x1x1xi1>
      %broadcast_in_dim3A_142 = vector.broadcast %broadcast_in_dim3A_141 : vector<4x1x1xi1> to vector<4x1x4xi1>
      %broadcast_in_dim3A_143 = vector.broadcast %jit3A_140 : f32 to vector<4x1x4xf32>
      %select_n3A_144 = arith.select %broadcast_in_dim3A_142, %add3A_139, %broadcast_in_dim3A_143 : vector<4x1x4xi1>, vector<4x1x4xf32>
      %swap3A = arith.constant 0 : index
      %swap3A_145 = arith.index_cast %scan3A_16 : i32 to index
      %swap3A_146 = arith.constant 0 : index
      %swap3A_147 = vector.load %arg5[%swap3A, %swap3A_145, %swap3A_146] : memref<4x1000x4xf32, #tpu.memory_space<vmem>>, vector<4x1x4xf32>
      tpu.vector_store %arg5[%swap3A, %swap3A_145, %swap3A_146], %select_n3A_144 {strides = array<i32>} : memref<4x1000x4xf32, #tpu.memory_space<vmem>>, vector<4x1x4xf32>,
      %jit3A_148 = arith.constant -1.000000e+09 : f32
      %broadcast_in_dim3A_149 = vector.broadcast %jit3A_148 : f32 to vector<4x48x128xf32>
      %select_n3A_150 = arith.select %or3A, %broadcast_in_dim3A_149, %scan3A_17 : vector<4x48x128xi1>, vector<4x48x128xf32>
      scf.yield %select_n3A_150 : vector<4x48x128xf32>
    }
    %scan3A_15 = arith.constant 1000 : i32
    return
  }
}

</mosaic_0001>

<sc_bundles>
// kernel: kernel.5.cloned.1.call-start
scs
__scs_entry_jumppad:
0x0: {  	(pc) =	sbr.rel $0x88, $3  }
0x1: {  	(tag) =	ssettag $0x0;
	lr =	simm.s32 $0x1  }
0x2: {  	[smem:$0x3F9E] =	sst lr;
	_ =	strace $0xD0000000  }
0x3: {  	_ = 	snop  }
0x4: {  	_ = 	snop  }
0x5: {  	_ = 	snop  }
0x6: {  	_ = 	snop  }
0x7: {  	_ = 	snop  }
__scs_overlays_trampoline_lowered:
0x8: {  	[smem:$0x3FAD] =	sst s0  }
0x9: {  	[smem:$0x3FAE] =	sst s1  }
0xa: {  	[smem:$0x3FAF] =	sst s2  }
0xb: {  	[smem:$0x3FB0] =	sst s3  }
0xc: {  	[smem:$0x3FB1] =	sst s4  }
0xd: {  	[smem:$0x3FB2] =	sst s5  }
0xe: {  	[smem:$0x3FB3] =	sst s6  }
0xf: {  	[smem:$0x3FB4] =	sst s7  }
0x10: {  	[smem:$0x3FB5] =	sst s8  }
0x11: {  	[smem:$0x3FB6] =	sst s9;
	s0 =	simm.s32 @!p0 $0x0  }
0x12: {  	s1 =	sld [smem:$0x3F9C];
	s0 =	simm.s32 @p0 $0x1  }
0x13: {  	[smem:$0x3FB7] =	sst s0;
	s0 =	simm.s32 @!p1 $0x0  }
0x14: {  	s2 =	sld [smem:$0x3F9B];
	s0 =	simm.s32 @p1 $0x1  }
0x15: {  	[smem:$0x3FB8] =	sst s0;
	s0 =	simm.s32 @!p2 $0x0  }
0x16: {  	s3 =	sld [smem:$0x3FDB];
	s0 =	simm.s32 @p2 $0x1  }
0x17: {  	s4 =	simm.s32 $0x1BF5;
	[smem:$0x3FBA] =	sst s0  }
0x18: {  	s0 =	sld [smem:$0x3F9D];
	_ =	swait.ge [sflag:s4], $0x0  }
0x19: {  	s7 =	sld [smem:$0x3F9E]  }
0x1a: {  	s8 =	sadd.s32 $0xFFFFE003, lr  }
0x1b: {  	s9 =	sadd.s32 $0xFFFFFEF7, lr;
	s5 =	simm.s32 $0xFFFFFFFF;
	p2 =	slt.u32 s8, $0xFFFFF086  }
0x1c: {  	p1 =	slt.u32 s9, $0xF7A;
	s5 =	simm.s32 @!p2 $0x0  }
0x1d: {  	s5 =	simm.s32 @p1 $0x1;
	p0 =	seq.s32 s7, s2  }
0x1e: {  	s7 =	smul.u32 @!p0 $0xF7A, s2;
	p2 =	seq.s32 @!p0 s5, $0x0  }
0x1f: {  	s9 =	smul.u32 $0xF7A, s1;
	s8 =	simm.s32 @!p0 $0x1BF5;
	p2 =	por !p2, p0  }
0x20: {  	[sflag:s8] =	ssyncset.s32 @!p0 $0xFFFFF086;
	s6 =	sadd.s32 @!p0 s3, s7;
	s7 =	simm.s32 @!p0 $0x108  }
0x21: {  	s3 =	sadd.s32 s3, s9;
	s6 =	sadd.s32 @!p0 $0x88, s6;
	s7 =	simm.s32 @p2 $0x1082  }
0x22: {  	[simem:s7], [sflag:s8] =	dma.local @!p0 [hbm:s6], $0xF7A  }
0x23: {  	s9 =	sor.u32 $0xD0000000, s2;
	s6 =	simm.s32 $0x108;
	_ =	swait.ge @!p0 [sflag:s8], $0x0  }
0x24: {  	s3 =	sadd.s32 $0x88, s3;
	s6 =	simm.s32 @!p1 $0x1082;
	[sflag:s4] =	ssyncset.s32 $0xFFFFF086  }
0x25: {  	[simem:s6], [sflag:s4] =	dma.local [hbm:s3], $0xF7A  }
0x26: {  	[smem:$0x3F9E] =	sst s1;
	(tag) =	ssettag s2;
	_ =	strace s9  }
0x27: {  	s1 =	sld [smem:$0x3FAE]  }
0x28: {  	s2 =	sld [smem:$0x3FAF]  }
0x29: {  	s4 =	sld [smem:$0x3FB1]  }
0x2a: {  	p0 =	seq.s32 s5, $0x0;
	s5 =	sld [smem:$0x3FB2]  }
0x2b: {  	s6 =	sld [smem:$0x3FB3]  }
0x2c: {  	s7 =	sld [smem:$0x3FB4]  }
0x2d: {  	s3 =	simm.s32 $0x108;
	s8 =	sld [smem:$0x3FB5]  }
0x2e: {  	s3 =	simm.s32 @!p0 $0x1082;
	s9 =	sld [smem:$0x3FB6]  }
0x2f: {  	lr =	sadd.s32 s0, s3;
	s0 =	sld [smem:$0x3FAD]  }
0x30: {  	s3 =	sld [smem:$0x3FB0]  }
0x31: {  	[smem:$0x3FB9] =	sst s10  }
0x32: {  	s10 =	sld [smem:$0x3FB7];
	_ =	sdelay $0x3  }
0x33: {  	p0 =	seq.s32 s10, $0x1;
	s10 =	sld [smem:$0x3FB9];
	_ =	sdelay $0x3  }
0x34: {  	[smem:$0x3FB9] =	sst s10  }
0x35: {  	s10 =	sld [smem:$0x3FB8];
	_ =	sdelay $0x3  }
0x36: {  	p1 =	seq.s32 s10, $0x1;
	s10 =	sld [smem:$0x3FB9];
	_ =	sdelay $0x3  }
0x37: {  	[smem:$0x3FB9] =	sst s10  }
0x38: {  	s10 =	sld [smem:$0x3FBA]  }
0x39: {  	_ = 	snop;
	(pc) =	sbr.ind lr, $3  }
0x3a: {  	_ = 	snop  }
0x3b: {  	_ = 	snop  }
0x3c: {  	p2 =	seq.s32 s10, $0x1;
	s10 =	sld [smem:$0x3FB9]  }
0x3d: {  	_ =	shalt  }
0x3e: {  	_ =	shalt  }
0x3f: {  	_ =	shalt  }
0x40: {  	_ =	shalt  }
0x41: {  	_ =	shalt  }
0x42: {  	_ =	shalt  }
0x43: {  	_ =	shalt  }
0x44: {  	_ =	shalt  }
0x45: {  	_ =	shalt  }
0x46: {  	_ =	shalt  }
0x47: {  	_ =	shalt  }
0x48: {  	_ =	shalt  }
0x49: {  	_ =	shalt  }
0x4a: {  	_ =	shalt  }
0x4b: {  	_ =	shalt  }
0x4c: {  	_ =	shalt  }
0x4d: {  	_ =	shalt  }
0x4e: {  	_ =	shalt  }
0x4f: {  	_ =	shalt  }
0x50: {  	_ =	shalt  }
0x51: {  	_ =	shalt  }
0x52: {  	_ =	shalt  }
0x53: {  	_ =	shalt  }
0x54: {  	_ =	shalt  }
0x55: {  	_ =	shalt  }
0x56: {  	_ =	shalt  }
0x57: {  	_ =	shalt  }
0x58: {  	_ =	shalt  }
0x59: {  	_ =	shalt  }
0x5a: {  	_ =	shalt  }
0x5b: {  	_ =	shalt  }
0x5c: {  	_ =	shalt  }
0x5d: {  	_ =	shalt  }
0x5e: {  	_ =	shalt  }
0x5f: {  	_ =	shalt  }
0x60: {  	_ =	shalt  }
0x61: {  	_ =	shalt  }
0x62: {  	_ =	shalt  }
0x63: {  	_ =	shalt  }
0x64: {  	_ =	shalt  }
0x65: {  	_ =	shalt  }
0x66: {  	_ =	shalt  }
0x67: {  	_ =	shalt  }
0x68: {  	_ =	shalt  }
0x69: {  	_ =	shalt  }
0x6a: {  	_ =	shalt  }
0x6b: {  	_ =	shalt  }
0x6c: {  	_ =	shalt  }
0x6d: {  	_ =	shalt  }
0x6e: {  	_ =	shalt  }
0x6f: {  	_ =	shalt  }
0x70: {  	_ =	shalt  }
0x71: {  	_ =	shalt  }
0x72: {  	_ =	shalt  }
0x73: {  	_ =	shalt  }
0x74: {  	_ =	shalt  }
0x75: {  	_ =	shalt  }
0x76: {  	_ =	shalt  }
0x77: {  	_ =	shalt  }
0x78: {  	_ =	shalt  }
0x79: {  	_ =	shalt  }
0x7a: {  	_ =	shalt  }
0x7b: {  	_ =	shalt  }
0x7c: {  	_ =	shalt  }
0x7d: {  	_ =	shalt  }
0x7e: {  	_ =	shalt  }
0x7f: {  	_ =	shalt  }
0x80: {  	_ =	shalt  }
0x81: {  	_ =	shalt  }
0x82: {  	_ =	shalt  }
0x83: {  	_ =	shalt  }
0x84: {  	_ =	shalt  }
0x85: {  	_ =	shalt  }
0x86: {  	_ =	shalt  }
0x87: {  	_ =	shalt  }
.Lfunc_end0:
.L_simem_size_0:
called_computation_lowered:
.L_overlay_start_0:
0x88: {  	s2 =	sld [smem:$0x3FD9]  }
0x89: {  	s3 =	sld [smem:$0x3FFE];
	_ =	sdelay $0x1  }
0x8a: {  	s1 =	srdreg.scid  }
0x8b: {  	s0 =	sand.u32 $0x1, s1  }
0x8c: {  	s16 =	sshll.u32 s0, $0xA;
	s2 =	sadd.s32 s3, s2  }
0x8d: {  	s2 =	sadd.s32 s2, s16  }
0x8e: {  	[smem:$0x3FC5] =	sst s2  }
0x8f: {  	_ = 	snop  }
0x90: {  	(tm) =	ssettm $0x1  }
0x91: {  	s17 =	sld [smem:$0x3FFB];
	_ =	sdelay $0x3  }
0x92: {  	_ =	strace s17  }
0x93: {  	s2 =	sld [smem:$0x3FFC];
	_ =	sdelay $0x3  }
0x94: {  	_ =	strace s2  }
0x95: {  	s2 =	sld [smem:$0x3FFD];
	_ =	sdelay $0x3  }
0x96: {  	_ =	strace s2  }
0x97: {  	_ =	strace $0x8FFFFFFF  }
0x98: {  	s18 =	sld [smem:$0x3FDB];
	_ =	sdelay $0x1  }
0x99: {  	s19 =	simm.s32 $_scs_section_size  }
0x9a: {  	s4 =	simm.s32 $_size__tile_overlayer_lowered;
	s5 =	simm.s32 $_tile_overlayer_lowered  }
0x9b: {  	s22 =	simm.s32 $0x1BFF;
	s21 =	sshll.u32 s5, $0x1;
	s2 =	sadd.s32 s19, s18  }
0x9c: {  	s6 =	simm.s32 $0x0;
	s20 =	sshll.u32 s4, $0x1;
	s4 =	sadd.s32 s21, s2  }
0x9d: {  	[timem:s6], [sflag:s22] =	dma.local [hbm:s4], s20  }
0x9e: {  	_ =	swait.ge [sflag:s22], s20  }
0x9f: {  	s3 =	ssub.s32 $0x0, s20;
	[sflag:s22] =	ssyncset.done $0x0  }
0xa0: {  	[sflag:s22] =	ssyncadd.s32 s3;
	_ =	sdelay $0x1  }
0xa1: {  	s23 =	simm.s32 $0x1B8B  }
0xa2: {  	_ =	swait.ge [sflag:s23], $0x1  }
0xa3: {  	[sflag:s23] =	ssyncset.done $0x0  }
0xa4: {  	s25 =	simm.s32 $0x1B8E;
	s24 =	sld [smem:$0x3FFE];
	[sflag:s23] =	ssyncadd.s32 $0xFFFFFFFF  }
0xa5: {  	s26 =	simm.s32 $execute0_lowered;
	[smem:$0x3FD2] =	sst s25  }
0xa6: {  	s4 =	sshll.u32 s26, $0x1;
	_ =	strace $0x80000046;
	[dreg:$0x1] =	wrdreg $0xFFFFFFFF  }
0xa7: {  	s28 =	simm.s32 $_size_execute0_lowered;
	s2 =	sadd.s32 s2, s4;
	[dreg:$0x0] =	wrdreg $0x0  }
0xa8: {  	s4 =	sshll.u32 s28, $0x1;
	[dreg:$0x2] =	wrdreg s2  }
0xa9: {  	[dreg:$0x3] =	wrdreg s4  }
0xaa: {  	[dreg:$0x4] =	wrdreg $0xC0  }
0xab: {  	_ =	task [dreg:s6], $0x5FFFF  }
0xac: {  	[dreg:$0x1] =	wrdreg $0xFFFFFFFF  }
0xad: {  	[dreg:$0x0] =	wrdreg $0x60  }
0xae: {  	[dreg:$0x2] =	wrdreg s24  }
0xaf: {  	[dreg:$0x3] =	wrdreg $0x9  }
0xb0: {  	_ =	task.clear_ibuf [dreg:s6], $0x4FFFF;
	_ =	strace $0x90000046  }
0xb1: {  	s29 =	simm.s32 $0x9;
	_ =	strace $0x80000048  }
0xb2: {  	_ =	swait.ge [sflag:s29], $0x1  }
0xb3: {  	[sflag:s29] =	ssyncadd.s32 $0xFFFFFFFF  }
0xb4: {  	_ =	strace $0x90000048  }
0xb5: {  	_ =	sfence  }
0xb6: {  	s30 =	sld [smem:$0x0];
	_ =	sdelay $0x2  }
0xb7: {  	s31 =	sshll.u32 s1, $0xD;
	s1 =	sshrl.u32 s1, $0x2  }
0xb8: {  	s3 =	sand.u32 $0x4000, s31;
	s1 =	sadd.s32 s1, s30  }
0xb9: {  	s0 =	sor.u32 s3, s0;
	s1 =	sshll.u32 s1, $0x11  }
0xba: {  	s0 =	sor.u32 s1, s0  }
0xbb: {  	s0 =	sadd.s32 $0x8F2B, s0  }
0xbc: {  	[sflag:s0] =	ssyncadd.remote.s32 $0x1  }
0xbd: {  	_ =	sfence.sel $0xFFFF  }
0xbe: {  	[dreg:$0x0] =	wrdreg $0xFFFFFFFF;
	(pc) =	sbr.abs _section_cstart, $3  }
0xbf: {  	[dreg:$0x1] =	wrdreg $0xFFFFFFFF  }
0xc0: {  	_ =	task.clear_ibuf [dreg:s6], $0x2FFFF;
	_ =	strace $0x9FFFFFFF  }
0xc1: {  	(tm) =	ssettm $0x7FFFFFFF  }
tec
execute0_lowered:
.L_overlay_start_1:
0x0: {  	(tag) =	ssettag $0x1  }
0x1: {  	s1 =	stileid.u32  }
0x2: {  	p0 =	sgt.u32 s1, $0x9  }
.Ltmp0:
0x3: {  	_ = 	snop;
	(pc) =	sbr.rel @p0 .LBB2_5-.Ltmp0, $4  }
0x4: {  	_ = 	snop  }
0x5: {  	s3 =	rddreg [dreg:$0x0];
	s2 =	simm.s32 $0x0  }
0x6: {  	[smem:$0x7FF] =	sst s2  }
0x7: {  	s0 =	rddreg [dreg:$0x1];
	_ =	strace $0x80000047  }
0x8: {  	s4 =	srdreg.scid  }
0x9: {  	s5 =	sshll.u32 s1, $0x1;
	s4 =	sand.u32 $0x1, s4  }
0xa: {  	s5 =	sor.u32 s4, s5  }
0xb: {  	s6 =	smul.u32 $0x34, s5;
	_ =	sdelay $0x1  }
0xc: {  	s8 =	sadd.s32 $0x1C00, s3;
	s4 =	ssub.s32 $0x2, s4;
	s6 =	sshrl.u32 s6, $0x8  }
0xd: {  	s11 =	simm.s32 $0x4E80;
	s30 =	sshrl.u32 s4, $0x1;
	s7 =	smul.u32 $0x5, s6  }
0xe: {  	s12 =	simm.s32 $0x9D00;
	s31 =	ssub.s32 s4, s30;
	s28 =	smul.u32 $0x27400, s6  }
0xf: {  	s9 =	sshll.u32 s6, $0x10;
	s10 =	sshrl.u32 s6, $0x2;
	s5 =	ssub.s32 s5, s7  }
0x10: {  	s6 =	sshll.u32 s6, $0x7;
	s29 =	smul.u32 $0x13A00, s10;
	s5 =	sand.u32 $0xFF, s5  }
0x11: {  	s6 =	sand.u32 $0x180, s6;
	s10 =	simm.s32 $0x400;
	s5 =	sshll.u32 s5, $0x7  }
0x12: {  	s6 =	sor.u32 s6, s29;
	s7 =	sor.u32 s5, s28;
	s5 =	sor.u32 s5, s9  }
0x13: {  	s6 =	sshrl.u32 s6, $0x3;
	s7 =	sshrl.u32 s7, $0x3;
	s5 =	sshrl.u32 s5, $0x3  }
0x14: {  	s9 =	simm.s32 $0x1;
	s7 =	sadd.s32 s7, s3;
	s5 =	sadd.s32 s5, s3  }
0x15: {  	s3 =	sadd.s32 $0x4400, s7;
	s4 =	sadd.s32 $0x17E00, s5;
	s5 =	sadd.s32 s8, s6  }
0x16: {  	s6 =	smax.u32 s31, $0x1;
	s7 =	simm.s32 $0x80;
	s8 =	simm.s32 $0x200  }
.LBB2_2:
0x17: {  	s13 =	simm.s32 $0x0  }
0x18: {  	[tilespmem:s13], [sflag:$0x1] =	stream.strided.gather [hbm4b:s5+s7], $0x4E80, s8, s7, $0x38;
	[tilespmem:$0xBD00] =	vst v63  }
0x19: {  	_ =	swait.ge [sflag:s9], $0x4E80  }
0x1a: {  	[sflag:s9] =	ssyncset.done $0x0  }
0x1b: {  	[sflag:s9] =	ssyncadd.s32 $0xFFFFB180  }
0x1c: {  	[tilespmem:s11], [sflag:$0x1] =	stream.strided.gather [hbm4b:s3+s7], $0x4E80, s10, s7, $0x38;
	[tilespmem:$0xBD00] =	vst v63  }
0x1d: {  	_ =	swait.ge [sflag:s9], $0x4E80  }
0x1e: {  	[sflag:s9] =	ssyncset.done $0x0  }
0x1f: {  	s14 =	simm.s32 $0x0;
	s13 =	simm.s32 $0x40;
	[sflag:s9] =	ssyncadd.s32 $0xFFFFB180  }
.LBB2_3:
0x20: {  	p0 =	sne.s32 s13, $0x139C0;
	v0 =	vld [tilespmem:s14+$0x0];
	_ =	sdelay $0x2  }
0x21: {  	v1 =	vld [tilespmem:s14+$0x4E80]  }
.Ltmp1:
0x22: {  	(pc) =	sbr.rel @p0 .LBB2_3-.Ltmp1, $2  }
0x23: {  	_ =	sdelay $0x2  }
0x24: {  	s14 =	sshra.s32 s13, $0x2;
	s13 =	sadd.s32 $0x40, s13;
	[tilespmem:v0+s12+$0x0] =	vst.idx.msk $0xffff, v1  }
0x25: {  	v0 =	vld [tilespmem:s14+$0x0];
	_ =	sdelay $0x2  }
0x26: {  	v1 =	vld [tilespmem:s14+$0x4E80];
	_ =	sdelay $0x2  }
0x27: {  	s2 =	sadd.s32 $0x1, s2  }
0x28: {  	p0 =	sne.s32 s2, s6  }
.Ltmp2:
0x29: {  	[tilespmem:v0+s12+$0x0] =	vst.idx.msk $0xffff, v1;
	(pc) =	sbr.rel @p0 .LBB2_2-.Ltmp2, $4  }
0x2a: {  	[hbm4b:s4+s7] =	stream.strided.scatter [tilespmem:s12], [sflag:$0x1], $0x2000, s10, s7, $0x38;
	[tilespmem:$0xBD00] =	vst v63  }
0x2b: {  	_ =	swait.ge [sflag:s9], $0x2000  }
0x2c: {  	[sflag:s9] =	ssyncset.done $0x0  }
0x2d: {  	[sflag:s9] =	ssyncadd.s32 $0xFFFFE000  }
.LBB2_5:
0x2e: {  	_ =	sfence.sel $0x180000  }
0x2f: {  	[bflag:$0x0] =	sbarrier.arrive $0xFFFF  }
0x30: {  	p0 =	sne.s32 s1, $0x0;
	_ =	strace $0x90000047  }
0x31: {  	s0 =	sadd.s32 @!p0 $0x100000, s0;
	[bflag:$0x2] =	sbarrier.arrive $0xFFFF  }
0x32: {  	[sflag:s0] =	ssyncadd.tile.s32 @!p0 $0x1;
	_ =	shalt  }
.Lfunc_end2:
_tile_overlayer_lowered:
.L_overlay_start_2:
0x33: {  	(tag) =	ssettag $0x2  }
0x34: {  	s0 =	rddreg [dreg:$0x0];
	s2 =	stileid.u32  }
0x35: {  	s1 =	rddreg [dreg:$0x1];
	p0 =	sne.s32 s2, $0x0  }
0x36: {  	s3 =	rddreg [dreg:$0x2];
	[bflag:$0x3] =	sbarrier.arrive $0xFFFF;
	s2 =	simm.s32 @!p0 $0x1C01  }
0x37: {  	[timem:s3], [sflag:s2] =	dma.local @!p0 [hbm:s0], s1  }
0x38: {  	s0 =	simm.s32 @!p0 $0x1  }
0x39: {  	_ =	swait.ge @!p0 [sflag:s0], s1  }
0x3a: {  	s1 =	ssub.s32 @!p0 $0x0, s1;
	[sflag:s0] =	ssyncset.done @!p0 $0x0  }
0x3b: {  	[sflag:s0] =	ssyncadd.s32 @!p0 s1  }
0x3c: {  	[bflag:$0x3] =	sbarrier.arrive $0xFFFF  }
0x3d: {  	_ =	shalt  }

</sc_bundles>
